<compile_context>
chip_gen: v7x
topology: tpu7x:2x2x1
jax: 0.10.2.dev20260603
libtpu: 0.0.44.dev20260713+nightly
codegen_flags: <defaults>
</compile_context>

<pallas_src>
import functools

import jax
import jax.numpy as jnp
from jax import lax
from jax.experimental import pallas as pl
from jax.experimental.pallas import tpu as pltpu
from jax.experimental.pallas import tpu_sc as plsc

_N = 10000
_E = 320000
_D = 128
_NC = 2
_NS = 16
_NW = _NC * _NS
_EPT = _E // _NW
_C = 64
_EPTP = 10048
_NCH = _EPTP // _C
_EPAD = _NW * _EPTP - _E
_RPT = 640
_NPAD = 10240


def _make_hist():
    mesh = plsc.VectorSubcoreMesh(core_axis_name="c", subcore_axis_name="s")

    @functools.partial(
        pl.kernel,
        out_type=jax.ShapeDtypeStruct((_NW, _NPAD), jnp.float32),
        mesh=mesh,
        scratch_types=[
            pltpu.VMEM((_NCH, _C), jnp.int32),
            pltpu.VMEM((_NPAD,), jnp.float32),
        ],
        compiler_params=pltpu.CompilerParams(needs_layout_passes=False),
    )
    def hist_kernel(dst_hbm, out_hbm, dstv, hist):
        cid = lax.axis_index("c")
        sid = lax.axis_index("s")
        wid = cid * _NS + sid
        pltpu.sync_copy(dst_hbm.at[wid], dstv)
        zeros16 = jnp.zeros((16,), jnp.float32)

        def zstep(i, carry):
            hist[pl.ds(i * 16, 16)] = zeros16
            return carry

        lax.fori_loop(0, _NPAD // 16, zstep, 0)
        ones16 = jnp.ones((16,), jnp.float32)
        npv = _C // 16

        def astep(i, carry):
            row = i // npv
            j = i % npv
            idx = dstv[row, pl.ds(j * 16, 16)]
            plsc.addupdate_scatter(hist, [idx], ones16)
            return carry

        lax.fori_loop(0, _NCH * npv, astep, 0)
        pltpu.sync_copy(hist, out_hbm.at[wid])

    return hist_kernel


def _make_agg():
    mesh = plsc.VectorSubcoreMesh(core_axis_name="c", subcore_axis_name="s")

    @functools.partial(
        pl.kernel,
        out_type=jax.ShapeDtypeStruct((_NC, _NPAD, _D), jnp.float32),
        mesh=mesh,
        scratch_types=[
            pltpu.VMEM((_NCH, _C), jnp.int32),
            pltpu.VMEM((_NCH, _C), jnp.int32),
            pltpu.VMEM((_C, _D), jnp.float32),
            pltpu.VMEM_SHARED((_NPAD, _D), jnp.float32),
            pltpu.SemaphoreType.DMA,
        ],
        compiler_params=pltpu.CompilerParams(needs_layout_passes=False),
    )
    def agg_kernel(h_hbm, src_hbm, dst_hbm, zero_hbm, out_hbm,
                   srcv, dstv, rows0, acc, gsem):
        cid = lax.axis_index("c")
        sid = lax.axis_index("s")
        wid = cid * _NS + sid
        pltpu.sync_copy(src_hbm.at[wid], srcv)
        pltpu.sync_copy(dst_hbm.at[wid], dstv)
        pltpu.sync_copy(zero_hbm, acc.at[pl.ds(sid * _RPT, _RPT)])
        plsc.subcore_barrier()

        def step(i, carry):
            pltpu.async_copy(h_hbm.at[srcv.at[i]], rows0, gsem).wait()
            pltpu.sync_copy(rows0, acc.at[dstv.at[i]], add=True)
            return carry

        lax.fori_loop(0, _NCH, step, 0)
        plsc.subcore_barrier()
        pltpu.sync_copy(acc.at[pl.ds(sid * _RPT, _RPT)],
                        out_hbm.at[cid, pl.ds(sid * _RPT, _RPT)])

    return agg_kernel


def _tc_layer_body(relu, head, h_ref, p_ref, histT_ref, wl_ref, bl_ref,
                   wr_ref, g_ref, be_ref, *rest):
    if head:
        wh1_ref, bh1_ref, wh2_ref, bh2_ref, o_ref = rest
    else:
        (o_ref,) = rest
    deg = jnp.sum(histT_ref[...], axis=1, keepdims=True)[:_N]
    deg = jnp.maximum(deg, 1.0)
    agg = (p_ref[0] + p_ref[1])[:_N] / deg
    h = h_ref[...]
    z = (lax.dot_general(agg, wl_ref[...], (((1,), (1,)), ((), ())),
                         preferred_element_type=jnp.float32)
         + lax.dot_general(h, wr_ref[...], (((1,), (1,)), ((), ())),
                           preferred_element_type=jnp.float32)
         + bl_ref[...])
    mu = jnp.mean(z, axis=0, keepdims=True)
    zc = z - mu
    var = jnp.mean(zc * zc, axis=0, keepdims=True)
    hn = zc * lax.rsqrt(var + 1e-5) * g_ref[...] + be_ref[...]
    if relu:
        hn = jnp.maximum(hn, 0.0)
    hn = hn + h
    if not head:
        o_ref[...] = hn
        return
    a1 = lax.dot_general(hn, wh1_ref[...], (((1,), (1,)), ((), ())),
                         preferred_element_type=jnp.float32) + bh1_ref[...]
    a1 = jnp.maximum(a1, 0.0)
    a2 = jnp.sum(a1 * wh2_ref[...], axis=1, keepdims=True) + bh2_ref[...]
    o_ref[...] = jax.nn.sigmoid(a2)


def _tc_layer(h, parts, histT, wl, bl, wr, g, be, relu):
    return pl.pallas_call(
        functools.partial(_tc_layer_body, relu, False),
        out_shape=jax.ShapeDtypeStruct((_N, _D), jnp.float32),
    )(h, parts, histT, wl, bl, wr, g, be)


def _tc_layer_head(h, parts, histT, wl, bl, wr, g, be, wh1, bh1, wh2, bh2):
    return pl.pallas_call(
        functools.partial(_tc_layer_body, False, True),
        out_shape=jax.ShapeDtypeStruct((_N, 1), jnp.float32),
    )(h, parts, histT, wl, bl, wr, g, be, wh1, bh1, wh2, bh2)


_hist_fn = _make_hist()
_agg_fn = _make_agg()


def kernel(x, edge_index, Wl0, bl0, Wr0, g0, be0, Wl1, bl1, Wr1, g1, be1,
           Wl2, bl2, Wr2, g2, be2, Wh1, bh1, Wh2, bh2):
    pad_src = jnp.zeros((_EPAD,), jnp.int32)
    pad_dst = _N + (jnp.arange(_EPAD, dtype=jnp.int32) % (_NPAD - _N))
    src = jnp.concatenate([edge_index[0], pad_src]).reshape(_NW, _NCH, _C)
    dst = jnp.concatenate([edge_index[1], pad_dst]).reshape(_NW, _NCH, _C)
    zero = jnp.zeros((_RPT, _D), jnp.float32)
    histT = _hist_fn(dst).T

    def r2(v):
        return v.reshape(1, -1)

    h = x
    for i, (Wl, bl, Wr, g, be) in enumerate(
            [(Wl0, bl0, Wr0, g0, be0), (Wl1, bl1, Wr1, g1, be1),
             (Wl2, bl2, Wr2, g2, be2)]):
        parts = _agg_fn(h, src, dst, zero)
        if i != 2:
            h = _tc_layer(h, parts, histT, Wl, r2(bl), Wr, r2(g), r2(be),
                          relu=True)
        else:
            out = _tc_layer_head(h, parts, histT, Wl, r2(bl), Wr, r2(g),
                                 r2(be), Wh1, r2(bh1), Wh2, r2(bh2))
    return out

# --- scband reference (transcript-rebuilt; emitter-appended) ---
"""Pipeline reference for scband-fraud-detection-gnn-56229711839982 (READ-ONLY COPY).

The authoritative reference and input builder live on the scoring server;
editing this copy changes nothing except your own understanding.
"""

import jax, jax.numpy as jnp
import numpy as np

N = 10000
E = 320000
D_IN = 128
HID = 128


def _sage(h, src, dst, Wl, bl, Wr):
    n = h.shape[0]
    msg = jnp.take(h, src, axis=0)
    agg_sum = jax.ops.segment_sum(msg, dst, num_segments=n)
    deg = jax.ops.segment_sum(jnp.ones((src.shape[0],), dtype=h.dtype), dst, num_segments=n)
    agg = agg_sum / jnp.clip(deg, 1.0)[:, None]
    return agg @ Wl.T + bl + h @ Wr.T


def _bn(h, gamma, beta):
    mu = jnp.mean(h, axis=0)
    var = jnp.var(h, axis=0)
    return (h - mu) * jax.lax.rsqrt(var + 1e-5) * gamma + beta


def setup_inputs(seed: int = 0):
    key = jax.random.key(seed)
    ks = jax.random.split(key, 32)
    inp = {}
    inp['x'] = jax.random.normal(ks[0], (N, D_IN), dtype=jnp.float32)
    inp['edge_index'] = jax.random.randint(ks[1], (2, E), 0, N, dtype=jnp.int32)
    kidx = 2
    for i in range(3):
        in_c = D_IN if i == 0 else HID
        s = 1.0 / np.sqrt(in_c)
        inp['Wl%d' % i] = jax.random.uniform(ks[kidx], (HID, in_c), minval=-s, maxval=s, dtype=jnp.float32); kidx += 1
        inp['bl%d' % i] = jnp.zeros((HID,), dtype=jnp.float32)
        inp['Wr%d' % i] = jax.random.uniform(ks[kidx], (HID, in_c), minval=-s, maxval=s, dtype=jnp.float32); kidx += 1
        inp['g%d' % i] = jnp.ones((HID,), dtype=jnp.float32)
        inp['be%d' % i] = jnp.zeros((HID,), dtype=jnp.float32)
    s = 1.0 / np.sqrt(HID)
    inp['Wh1'] = jax.random.uniform(ks[kidx], (64, HID), minval=-s, maxval=s, dtype=jnp.float32); kidx += 1
    inp['bh1'] = jnp.zeros((64,), dtype=jnp.float32)
    s = 1.0 / np.sqrt(64)
    inp['Wh2'] = jax.random.uniform(ks[kidx], (1, 64), minval=-s, maxval=s, dtype=jnp.float32); kidx += 1
    inp['bh2'] = jnp.zeros((1,), dtype=jnp.float32)
    return inp


def reference(x, edge_index, Wl0, bl0, Wr0, g0, be0, Wl1, bl1, Wr1, g1, be1, Wl2, bl2, Wr2, g2, be2, Wh1, bh1, Wh2, bh2):
    src = edge_index[0]
    dst = edge_index[1]
    layers = [(Wl0, bl0, Wr0, g0, be0), (Wl1, bl1, Wr1, g1, be1), (Wl2, bl2, Wr2, g2, be2)]
    h = x
    for i, (Wl, bl, Wr, g, b) in enumerate(layers):
        res = h
        h = _sage(h, src, dst, Wl, bl, Wr)
        h = _bn(h, g, b)
        if i != 2:
            h = jax.nn.relu(h)
        if res.shape == h.shape:
            h = h + res
    h1 = jax.nn.relu(h @ Wh1.T + bh1)
    return jax.nn.sigmoid(h1 @ Wh2.T + bh2)

if __name__ == "__main__":
    import jax
    _d = setup_inputs()
    print(jax.jit(kernel)(*tuple(_d.values())))

</pallas_src>

<mosaic_0001>
#map = affine_map<(d0, d1) -> (0, 0, 0)>
#map1 = affine_map<(d0, d1) -> (0, 0)>
module attributes {stable_mosaic.version = 14 : i64} {
  func.func @hist_kernel(%arg0: i32, %arg1: i32, %arg2: memref<32x157x64xi32, #tpu.memory_space<hbm>>, %arg3: memref<32x10240xf32, #tpu.memory_space<hbm>>, %arg4: memref<157x64xi32, #tpu.memory_space<vmem>>, %arg5: memref<10240xf32, #tpu.memory_space<vmem>>) attributes {dimension_semantics = [#tpu.dimension_semantics<core_parallel>, #tpu.dimension_semantics<subcore_parallel>], iteration_bounds = array<i64: 2, 16>, scalar_prefetch = 0 : i64, scratch_operands = 2 : i64, tpu.core_type = #tpu.core_type<sc_vector_subcore>, window_params = [{transform_indices = #map}, {transform_indices = #map1}]} {
    %mul3A = arith.constant 16 : i32
    %mul3A_0 = arith.muli %arg0, %mul3A : i32
    %add3A = arith.addi %mul3A_0, %arg1 : i32
    "tpu.region"() ({
      %run_scoped3A = tpu.sem_alloc : memref<!tpu.dma_semaphore, #tpu.memory_space<semaphore_mem>>
      %dma_start3A = arith.constant 0 : i32
      %dma_start3A_15 = arith.constant 0 : i32
      %dma_start3A_16 = tpu.memref_slice %arg2[%add3A, %dma_start3A, %dma_start3A_15] : memref<32x157x64xi32, #tpu.memory_space<hbm>> -> memref<1x157x64xi32, #tpu.memory_space<hbm>>
      %dma_start3A_17 = tpu.memref_squeeze %dma_start3A_16 : memref<1x157x64xi32, #tpu.memory_space<hbm>> -> memref<157x64xi32, #tpu.memory_space<hbm>>
      %dma_start3A_18 = arith.constant 0 : i32
      %dma_start3A_19 = arith.constant 0 : i32
      %dma_start3A_20 = tpu.memref_slice %arg2[%add3A, %dma_start3A_18, %dma_start3A_19] : memref<32x157x64xi32, #tpu.memory_space<hbm>> -> memref<1x157x64xi32, #tpu.memory_space<hbm>>
      %dma_start3A_21 = tpu.memref_squeeze %dma_start3A_20 : memref<1x157x64xi32, #tpu.memory_space<hbm>> -> memref<157x64xi32, #tpu.memory_space<hbm>>
      tpu.enqueue_dma source(%dma_start3A_21 : memref<157x64xi32, #tpu.memory_space<hbm>>) target(%arg4 : memref<157x64xi32, #tpu.memory_space<vmem>>) target_semaphore(%run_scoped3A : memref<!tpu.dma_semaphore, #tpu.memory_space<semaphore_mem>>)
      %dma_wait3A = arith.constant 0 : i32
      %dma_wait3A_22 = arith.constant 0 : i32
      %dma_wait3A_23 = tpu.memref_slice %arg2[%add3A, %dma_wait3A, %dma_wait3A_22] : memref<32x157x64xi32, #tpu.memory_space<hbm>> -> memref<1x157x64xi32, #tpu.memory_space<hbm>>
      %dma_wait3A_24 = tpu.memref_squeeze %dma_wait3A_23 : memref<1x157x64xi32, #tpu.memory_space<hbm>> -> memref<157x64xi32, #tpu.memory_space<hbm>>
      %dma_wait3A_25 = arith.constant 0 : i32
      %dma_wait3A_26 = arith.constant 0 : i32
      %dma_wait3A_27 = tpu.memref_slice %arg2[%add3A, %dma_wait3A_25, %dma_wait3A_26] : memref<32x157x64xi32, #tpu.memory_space<hbm>> -> memref<1x157x64xi32, #tpu.memory_space<hbm>>
      %dma_wait3A_28 = tpu.memref_squeeze %dma_wait3A_27 : memref<1x157x64xi32, #tpu.memory_space<hbm>> -> memref<157x64xi32, #tpu.memory_space<hbm>>
      tpu.wait_dma2 semaphore(%run_scoped3A : memref<!tpu.dma_semaphore, #tpu.memory_space<semaphore_mem>>) src(%dma_wait3A_28 : memref<157x64xi32, #tpu.memory_space<hbm>>) dst(%arg4 : memref<157x64xi32, #tpu.memory_space<vmem>>)
      tpu.yield
    }) : () -> ()
    %broadcast_in_dim3A = arith.constant 0.000000e+00 : f32
    %broadcast_in_dim3A_1 = vector.broadcast %broadcast_in_dim3A : f32 to vector<16xf32>
    %scan3A = arith.constant 0 : i32
    %scan3A_2 = arith.constant 0 : i32
    %scan3A_3 = arith.constant 640 : i32
    %scan3A_4 = arith.addi %scan3A_2, %scan3A_3 : i32
    %scan3A_5 = arith.constant 1 : i32
    scf.for %scan3A_15 = %scan3A_2 to %scan3A_4 step %scan3A_5  : i32 {
      %mul3A_16 = arith.constant 16 : i32
      %mul3A_17 = arith.muli %scan3A_15, %mul3A_16 : i32
      %swap3A = arith.index_cast %mul3A_17 : i32 to index
      %swap3A_18 = tpu.vector_load %arg5[%swap3A] {strides = array<i32>} : memref<10240xf32, #tpu.memory_space<vmem>>, vector<16xf32>,
      tpu.vector_store %arg5[%swap3A], %broadcast_in_dim3A_1 {strides = array<i32>} : memref<10240xf32, #tpu.memory_space<vmem>>, vector<16xf32>,
    }
    %scan3A_6 = arith.constant 640 : i32
    %broadcast_in_dim3A_7 = arith.constant 1.000000e+00 : f32
    %broadcast_in_dim3A_8 = vector.broadcast %broadcast_in_dim3A_7 : f32 to vector<16xf32>
    %scan3A_9 = arith.constant 0 : i32
    %scan3A_10 = arith.constant 0 : i32
    %scan3A_11 = arith.constant 628 : i32
    %scan3A_12 = arith.addi %scan3A_10, %scan3A_11 : i32
    %scan3A_13 = arith.constant 1 : i32
    scf.for %scan3A_15 = %scan3A_10 to %scan3A_12 step %scan3A_13  : i32 {
      %jit3A = arith.constant 4 : i32
      %div3A = arith.divsi %scan3A_15, %jit3A : i32
      %sign3A = arith.constant 0 : i32
      %sign3A_16 = arith.cmpi sgt, %scan3A_15, %sign3A : i32
      %sign3A_17 = arith.extui %sign3A_16 : i1 to i32
      %sign3A_18 = arith.constant 0 : i32
      %sign3A_19 = arith.cmpi slt, %scan3A_15, %sign3A_18 : i32
      %sign3A_20 = arith.extui %sign3A_19 : i1 to i32
      %sign3A_21 = arith.subi %sign3A_17, %sign3A_20 : i32
      %sign3A_22 = arith.constant 0 : i32
      %sign3A_23 = arith.cmpi sgt, %jit3A, %sign3A_22 : i32
      %sign3A_24 = arith.extui %sign3A_23 : i1 to i32
      %sign3A_25 = arith.constant 0 : i32
      %sign3A_26 = arith.cmpi slt, %jit3A, %sign3A_25 : i32
      %sign3A_27 = arith.extui %sign3A_26 : i1 to i32
      %sign3A_28 = arith.subi %sign3A_24, %sign3A_27 : i32
      %ne3A = arith.cmpi ne, %sign3A_21, %sign3A_28 : i32
      %rem3A = arith.remsi %scan3A_15, %jit3A : i32
      %ne3A_29 = arith.constant 0 : i32
      %ne3A_30 = arith.cmpi ne, %rem3A, %ne3A_29 : i32
      %and3A = arith.andi %ne3A, %ne3A_30 : i1
      %sub3A = arith.constant 1 : i32
      %sub3A_31 = arith.subi %div3A, %sub3A : i32
      %select_n3A = arith.select %and3A, %sub3A_31, %div3A : i32
      %jit3A_32 = arith.constant 4 : i32
      %eq3A = arith.constant 0 : i32
      %eq3A_33 = arith.cmpi eq, %jit3A_32, %eq3A : i32
      %jit3A_34 = arith.constant 1 : i32
      %select_n3A_35 = arith.select %eq3A_33, %jit3A_34, %jit3A_32 : i32
      %rem3A_36 = arith.remsi %scan3A_15, %select_n3A_35 : i32
      %ne3A_37 = arith.constant 0 : i32
      %ne3A_38 = arith.cmpi ne, %rem3A_36, %ne3A_37 : i32
      %lt3A = arith.constant 0 : i32
      %lt3A_39 = arith.cmpi slt, %rem3A_36, %lt3A : i32
      %lt3A_40 = arith.constant 0 : i32
      %lt3A_41 = arith.cmpi slt, %select_n3A_35, %lt3A_40 : i32
      %ne3A_42 = arith.xori %lt3A_39, %lt3A_41 : i1
      %and3A_43 = arith.andi %ne3A_42, %ne3A_38 : i1
      %add3A_44 = arith.addi %rem3A_36, %select_n3A_35 : i32
      %select_n3A_45 = arith.select %and3A_43, %add3A_44, %rem3A_36 : i32
      %mul3A_46 = arith.constant 16 : i32
      %mul3A_47 = arith.muli %select_n3A_45, %mul3A_46 : i32
      %get3A = arith.index_cast %select_n3A : i32 to index
      %get3A_48 = arith.index_cast %mul3A_47 : i32 to index
      %get3A_49 = tpu.vector_load %arg4[%get3A, %get3A_48] {strides = array<i32>} : memref<157x64xi32, #tpu.memory_space<vmem>>, vector<16xi32>,
      tpu.vector_store_idx %arg5[%get3A_49], %broadcast_in_dim3A_8 {add = true} : memref<10240xf32, #tpu.memory_space<vmem>>[vector<16xi32>], vector<16xf32>,
    }
    %scan3A_14 = arith.constant 628 : i32
    "tpu.region"() ({
      %run_scoped3A = tpu.sem_alloc : memref<!tpu.dma_semaphore, #tpu.memory_space<semaphore_mem>>
      %dma_start3A = arith.constant 0 : i32
      %dma_start3A_15 = tpu.memref_slice %arg3[%add3A, %dma_start3A] : memref<32x10240xf32, #tpu.memory_space<hbm>> -> memref<1x10240xf32, #tpu.memory_space<hbm>>
      %dma_start3A_16 = tpu.memref_squeeze %dma_start3A_15 : memref<1x10240xf32, #tpu.memory_space<hbm>> -> memref<10240xf32, #tpu.memory_space<hbm>>
      %dma_start3A_17 = arith.constant 0 : i32
      %dma_start3A_18 = tpu.memref_slice %arg3[%add3A, %dma_start3A_17] : memref<32x10240xf32, #tpu.memory_space<hbm>> -> memref<1x10240xf32, #tpu.memory_space<hbm>>
      %dma_start3A_19 = tpu.memref_squeeze %dma_start3A_18 : memref<1x10240xf32, #tpu.memory_space<hbm>> -> memref<10240xf32, #tpu.memory_space<hbm>>
      tpu.enqueue_dma source(%arg5 : memref<10240xf32, #tpu.memory_space<vmem>>) target(%dma_start3A_19 : memref<10240xf32, #tpu.memory_space<hbm>>) target_semaphore(%run_scoped3A : memref<!tpu.dma_semaphore, #tpu.memory_space<semaphore_mem>>)
      %dma_wait3A = arith.constant 0 : i32
      %dma_wait3A_20 = tpu.memref_slice %arg3[%add3A, %dma_wait3A] : memref<32x10240xf32, #tpu.memory_space<hbm>> -> memref<1x10240xf32, #tpu.memory_space<hbm>>
      %dma_wait3A_21 = tpu.memref_squeeze %dma_wait3A_20 : memref<1x10240xf32, #tpu.memory_space<hbm>> -> memref<10240xf32, #tpu.memory_space<hbm>>
      %dma_wait3A_22 = arith.constant 0 : i32
      %dma_wait3A_23 = tpu.memref_slice %arg3[%add3A, %dma_wait3A_22] : memref<32x10240xf32, #tpu.memory_space<hbm>> -> memref<1x10240xf32, #tpu.memory_space<hbm>>
      %dma_wait3A_24 = tpu.memref_squeeze %dma_wait3A_23 : memref<1x10240xf32, #tpu.memory_space<hbm>> -> memref<10240xf32, #tpu.memory_space<hbm>>
      tpu.wait_dma2 semaphore(%run_scoped3A : memref<!tpu.dma_semaphore, #tpu.memory_space<semaphore_mem>>) src(%arg5 : memref<10240xf32, #tpu.memory_space<vmem>>) dst(%dma_wait3A_24 : memref<10240xf32, #tpu.memory_space<hbm>>)
      tpu.yield
    }) : () -> ()
    return
  }
}

#map = affine_map<(d0, d1) -> (0, 0)>
#map1 = affine_map<(d0, d1) -> (0, 0, 0)>
module attributes {stable_mosaic.version = 14 : i64} {
  func.func @agg_kernel(%arg0: i32, %arg1: i32, %arg2: memref<10000x128xf32, #tpu.memory_space<hbm>>, %arg3: memref<32x157x64xi32, #tpu.memory_space<hbm>>, %arg4: memref<32x157x64xi32, #tpu.memory_space<hbm>>, %arg5: memref<640x128xf32, #tpu.memory_space<hbm>>, %arg6: memref<2x10240x128xf32, #tpu.memory_space<hbm>>, %arg7: memref<157x64xi32, #tpu.memory_space<vmem>>, %arg8: memref<157x64xi32, #tpu.memory_space<vmem>>, %arg9: memref<64x128xf32, #tpu.memory_space<vmem>>, %arg10: memref<10240x128xf32, #tpu.memory_space<vmem_shared>>, %arg11: memref<!tpu.dma_semaphore, #tpu.memory_space<semaphore_mem>>) attributes {dimension_semantics = [#tpu.dimension_semantics<core_parallel>, #tpu.dimension_semantics<subcore_parallel>], iteration_bounds = array<i64: 2, 16>, scalar_prefetch = 0 : i64, scratch_operands = 5 : i64, tpu.core_type = #tpu.core_type<sc_vector_subcore>, window_params = [{transform_indices = #map}, {transform_indices = #map1}, {transform_indices = #map1}, {transform_indices = #map}, {transform_indices = #map1}]} {
    %mul3A = arith.constant 16 : i32
    %mul3A_0 = arith.muli %arg0, %mul3A : i32
    %add3A = arith.addi %mul3A_0, %arg1 : i32
    "tpu.region"() ({
      %run_scoped3A = tpu.sem_alloc : memref<!tpu.dma_semaphore, #tpu.memory_space<semaphore_mem>>
      %dma_start3A = arith.constant 0 : i32
      %dma_start3A_13 = arith.constant 0 : i32
      %dma_start3A_14 = tpu.memref_slice %arg3[%add3A, %dma_start3A, %dma_start3A_13] : memref<32x157x64xi32, #tpu.memory_space<hbm>> -> memref<1x157x64xi32, #tpu.memory_space<hbm>>
      %dma_start3A_15 = tpu.memref_squeeze %dma_start3A_14 : memref<1x157x64xi32, #tpu.memory_space<hbm>> -> memref<157x64xi32, #tpu.memory_space<hbm>>
      %dma_start3A_16 = arith.constant 0 : i32
      %dma_start3A_17 = arith.constant 0 : i32
      %dma_start3A_18 = tpu.memref_slice %arg3[%add3A, %dma_start3A_16, %dma_start3A_17] : memref<32x157x64xi32, #tpu.memory_space<hbm>> -> memref<1x157x64xi32, #tpu.memory_space<hbm>>
      %dma_start3A_19 = tpu.memref_squeeze %dma_start3A_18 : memref<1x157x64xi32, #tpu.memory_space<hbm>> -> memref<157x64xi32, #tpu.memory_space<hbm>>
      tpu.enqueue_dma source(%dma_start3A_19 : memref<157x64xi32, #tpu.memory_space<hbm>>) target(%arg7 : memref<157x64xi32, #tpu.memory_space<vmem>>) target_semaphore(%run_scoped3A : memref<!tpu.dma_semaphore, #tpu.memory_space<semaphore_mem>>)
      %dma_wait3A = arith.constant 0 : i32
      %dma_wait3A_20 = arith.constant 0 : i32
      %dma_wait3A_21 = tpu.memref_slice %arg3[%add3A, %dma_wait3A, %dma_wait3A_20] : memref<32x157x64xi32, #tpu.memory_space<hbm>> -> memref<1x157x64xi32, #tpu.memory_space<hbm>>
      %dma_wait3A_22 = tpu.memref_squeeze %dma_wait3A_21 : memref<1x157x64xi32, #tpu.memory_space<hbm>> -> memref<157x64xi32, #tpu.memory_space<hbm>>
      %dma_wait3A_23 = arith.constant 0 : i32
      %dma_wait3A_24 = arith.constant 0 : i32
      %dma_wait3A_25 = tpu.memref_slice %arg3[%add3A, %dma_wait3A_23, %dma_wait3A_24] : memref<32x157x64xi32, #tpu.memory_space<hbm>> -> memref<1x157x64xi32, #tpu.memory_space<hbm>>
      %dma_wait3A_26 = tpu.memref_squeeze %dma_wait3A_25 : memref<1x157x64xi32, #tpu.memory_space<hbm>> -> memref<157x64xi32, #tpu.memory_space<hbm>>
      tpu.wait_dma2 semaphore(%run_scoped3A : memref<!tpu.dma_semaphore, #tpu.memory_space<semaphore_mem>>) src(%dma_wait3A_26 : memref<157x64xi32, #tpu.memory_space<hbm>>) dst(%arg7 : memref<157x64xi32, #tpu.memory_space<vmem>>)
      tpu.yield
    }) : () -> ()
    "tpu.region"() ({
      %run_scoped3A = tpu.sem_alloc : memref<!tpu.dma_semaphore, #tpu.memory_space<semaphore_mem>>
      %dma_start3A = arith.constant 0 : i32
      %dma_start3A_13 = arith.constant 0 : i32
      %dma_start3A_14 = tpu.memref_slice %arg4[%add3A, %dma_start3A, %dma_start3A_13] : memref<32x157x64xi32, #tpu.memory_space<hbm>> -> memref<1x157x64xi32, #tpu.memory_space<hbm>>
      %dma_start3A_15 = tpu.memref_squeeze %dma_start3A_14 : memref<1x157x64xi32, #tpu.memory_space<hbm>> -> memref<157x64xi32, #tpu.memory_space<hbm>>
      %dma_start3A_16 = arith.constant 0 : i32
      %dma_start3A_17 = arith.constant 0 : i32
      %dma_start3A_18 = tpu.memref_slice %arg4[%add3A, %dma_start3A_16, %dma_start3A_17] : memref<32x157x64xi32, #tpu.memory_space<hbm>> -> memref<1x157x64xi32, #tpu.memory_space<hbm>>
      %dma_start3A_19 = tpu.memref_squeeze %dma_start3A_18 : memref<1x157x64xi32, #tpu.memory_space<hbm>> -> memref<157x64xi32, #tpu.memory_space<hbm>>
      tpu.enqueue_dma source(%dma_start3A_19 : memref<157x64xi32, #tpu.memory_space<hbm>>) target(%arg8 : memref<157x64xi32, #tpu.memory_space<vmem>>) target_semaphore(%run_scoped3A : memref<!tpu.dma_semaphore, #tpu.memory_space<semaphore_mem>>)
      %dma_wait3A = arith.constant 0 : i32
      %dma_wait3A_20 = arith.constant 0 : i32
      %dma_wait3A_21 = tpu.memref_slice %arg4[%add3A, %dma_wait3A, %dma_wait3A_20] : memref<32x157x64xi32, #tpu.memory_space<hbm>> -> memref<1x157x64xi32, #tpu.memory_space<hbm>>
      %dma_wait3A_22 = tpu.memref_squeeze %dma_wait3A_21 : memref<1x157x64xi32, #tpu.memory_space<hbm>> -> memref<157x64xi32, #tpu.memory_space<hbm>>
      %dma_wait3A_23 = arith.constant 0 : i32
      %dma_wait3A_24 = arith.constant 0 : i32
      %dma_wait3A_25 = tpu.memref_slice %arg4[%add3A, %dma_wait3A_23, %dma_wait3A_24] : memref<32x157x64xi32, #tpu.memory_space<hbm>> -> memref<1x157x64xi32, #tpu.memory_space<hbm>>
      %dma_wait3A_26 = tpu.memref_squeeze %dma_wait3A_25 : memref<1x157x64xi32, #tpu.memory_space<hbm>> -> memref<157x64xi32, #tpu.memory_space<hbm>>
      tpu.wait_dma2 semaphore(%run_scoped3A : memref<!tpu.dma_semaphore, #tpu.memory_space<semaphore_mem>>) src(%dma_wait3A_26 : memref<157x64xi32, #tpu.memory_space<hbm>>) dst(%arg8 : memref<157x64xi32, #tpu.memory_space<vmem>>)
      tpu.yield
    }) : () -> ()
    %mul3A_1 = arith.constant 640 : i32
    %mul3A_2 = arith.muli %arg1, %mul3A_1 : i32
    "tpu.region"() ({
      %run_scoped3A = tpu.sem_alloc : memref<!tpu.dma_semaphore, #tpu.memory_space<semaphore_mem>>
      %dma_start3A = arith.constant 0 : i32
      %dma_start3A_13 = tpu.memref_slice %arg10[%mul3A_2, %dma_start3A] : memref<10240x128xf32, #tpu.memory_space<vmem_shared>> -> memref<640x128xf32, #tpu.memory_space<vmem_shared>>
      tpu.enqueue_dma source(%arg5 : memref<640x128xf32, #tpu.memory_space<hbm>>) target(%dma_start3A_13 : memref<640x128xf32, #tpu.memory_space<vmem_shared>>) target_semaphore(%run_scoped3A : memref<!tpu.dma_semaphore, #tpu.memory_space<semaphore_mem>>)
      %dma_wait3A = arith.constant 0 : i32
      %dma_wait3A_14 = tpu.memref_slice %arg10[%mul3A_2, %dma_wait3A] : memref<10240x128xf32, #tpu.memory_space<vmem_shared>> -> memref<640x128xf32, #tpu.memory_space<vmem_shared>>
      tpu.wait_dma2 semaphore(%run_scoped3A : memref<!tpu.dma_semaphore, #tpu.memory_space<semaphore_mem>>) src(%arg5 : memref<640x128xf32, #tpu.memory_space<hbm>>) dst(%dma_wait3A_14 : memref<640x128xf32, #tpu.memory_space<vmem_shared>>)
      tpu.yield
    }) : () -> ()
    %barrier3A = arith.constant 0 : index
    tpu.barrier barrier_id(%barrier3A)
    %scan3A = arith.constant 0 : i32
    %scan3A_3 = arith.constant 0 : i32
    %scan3A_4 = arith.constant 157 : i32
    %scan3A_5 = arith.addi %scan3A_3, %scan3A_4 : i32
    %scan3A_6 = arith.constant 1 : i32
    scf.for %scan3A_13 = %scan3A_3 to %scan3A_5 step %scan3A_6  : i32 {
      %dma_start3A = arith.constant 0 : i32
      %dma_start3A_14 = tpu.memref_slice %arg7[%scan3A_13, %dma_start3A] : memref<157x64xi32, #tpu.memory_space<vmem>> -> memref<1x64xi32, #tpu.memory_space<vmem>>
      %dma_start3A_15 = tpu.memref_squeeze %dma_start3A_14 : memref<1x64xi32, #tpu.memory_space<vmem>> -> memref<64xi32, #tpu.memory_space<vmem>>
      %dma_start3A_16 = arith.constant 0 : i32
      %dma_start3A_17 = arith.constant 0 : i32
      %dma_start3A_18 = tpu.memref_slice %arg2[%dma_start3A_16, %dma_start3A_17] : memref<10000x128xf32, #tpu.memory_space<hbm>> -> memref<10000x128xf32, #tpu.memory_space<hbm>>
      tpu.enqueue_indirect_dma source(%dma_start3A_18 : memref<10000x128xf32, #tpu.memory_space<hbm>>) target(%arg9 : memref<64x128xf32, #tpu.memory_space<vmem>>) offsets(%dma_start3A_15 : memref<64xi32, #tpu.memory_space<vmem>>) semaphore(%arg11 : memref<!tpu.dma_semaphore, #tpu.memory_space<semaphore_mem>>)
      %dma_wait3A = arith.constant 0 : i32
      %dma_wait3A_19 = tpu.memref_slice %arg7[%scan3A_13, %dma_wait3A] : memref<157x64xi32, #tpu.memory_space<vmem>> -> memref<1x64xi32, #tpu.memory_space<vmem>>
      %dma_wait3A_20 = tpu.memref_squeeze %dma_wait3A_19 : memref<1x64xi32, #tpu.memory_space<vmem>> -> memref<64xi32, #tpu.memory_space<vmem>>
      %dma_wait3A_21 = arith.constant 0 : i32
      %dma_wait3A_22 = arith.constant 0 : i32
      %dma_wait3A_23 = tpu.memref_slice %arg2[%dma_wait3A_21, %dma_wait3A_22] : memref<10000x128xf32, #tpu.memory_space<hbm>> -> memref<10000x128xf32, #tpu.memory_space<hbm>>
      tpu.wait_indirect_dma semaphore(%arg11 : memref<!tpu.dma_semaphore, #tpu.memory_space<semaphore_mem>>) src(%dma_wait3A_23 : memref<10000x128xf32, #tpu.memory_space<hbm>>) dst(%arg9 : memref<64x128xf32, #tpu.memory_space<vmem>>)
      "tpu.region"() ({
        %run_scoped3A = tpu.sem_alloc : memref<!tpu.dma_semaphore, #tpu.memory_space<semaphore_mem>>
        %dma_start3A_24 = arith.constant 0 : i32
        %dma_start3A_25 = tpu.memref_slice %arg8[%scan3A_13, %dma_start3A_24] : memref<157x64xi32, #tpu.memory_space<vmem>> -> memref<1x64xi32, #tpu.memory_space<vmem>>
        %dma_start3A_26 = tpu.memref_squeeze %dma_start3A_25 : memref<1x64xi32, #tpu.memory_space<vmem>> -> memref<64xi32, #tpu.memory_space<vmem>>
        %dma_start3A_27 = arith.constant 0 : i32
        %dma_start3A_28 = arith.constant 0 : i32
        %dma_start3A_29 = tpu.memref_slice %arg10[%dma_start3A_27, %dma_start3A_28] : memref<10240x128xf32, #tpu.memory_space<vmem_shared>> -> memref<10240x128xf32, #tpu.memory_space<vmem_shared>>
        tpu.enqueue_indirect_dma source(%arg9 : memref<64x128xf32, #tpu.memory_space<vmem>>) target(%dma_start3A_29 : memref<10240x128xf32, #tpu.memory_space<vmem_shared>>) offsets(%dma_start3A_26 : memref<64xi32, #tpu.memory_space<vmem>>) semaphore(%run_scoped3A : memref<!tpu.dma_semaphore, #tpu.memory_space<semaphore_mem>>) {add = true}
        %dma_wait3A_30 = arith.constant 0 : i32
        %dma_wait3A_31 = tpu.memref_slice %arg8[%scan3A_13, %dma_wait3A_30] : memref<157x64xi32, #tpu.memory_space<vmem>> -> memref<1x64xi32, #tpu.memory_space<vmem>>
        %dma_wait3A_32 = tpu.memref_squeeze %dma_wait3A_31 : memref<1x64xi32, #tpu.memory_space<vmem>> -> memref<64xi32, #tpu.memory_space<vmem>>
        %dma_wait3A_33 = arith.constant 0 : i32
        %dma_wait3A_34 = arith.constant 0 : i32
        %dma_wait3A_35 = tpu.memref_slice %arg10[%dma_wait3A_33, %dma_wait3A_34] : memref<10240x128xf32, #tpu.memory_space<vmem_shared>> -> memref<10240x128xf32, #tpu.memory_space<vmem_shared>>
        tpu.wait_indirect_dma semaphore(%run_scoped3A : memref<!tpu.dma_semaphore, #tpu.memory_space<semaphore_mem>>) src(%arg9 : memref<64x128xf32, #tpu.memory_space<vmem>>) dst(%dma_wait3A_35 : memref<10240x128xf32, #tpu.memory_space<vmem_shared>>)
        tpu.yield
      }) : () -> ()
    }
    %scan3A_7 = arith.constant 157 : i32
    %barrier3A_8 = arith.constant 0 : index
    tpu.barrier barrier_id(%barrier3A_8)
    %mul3A_9 = arith.constant 640 : i32
    %mul3A_10 = arith.muli %arg1, %mul3A_9 : i32
    %mul3A_11 = arith.constant 640 : i32
    %mul3A_12 = arith.muli %arg1, %mul3A_11 : i32
    "tpu.region"() ({
      %run_scoped3A = tpu.sem_alloc : memref<!tpu.dma_semaphore, #tpu.memory_space<semaphore_mem>>
      %dma_start3A = arith.constant 0 : i32
      %dma_start3A_13 = tpu.memref_slice %arg6[%arg0, %mul3A_12, %dma_start3A] : memref<2x10240x128xf32, #tpu.memory_space<hbm>> -> memref<1x640x128xf32, #tpu.memory_space<hbm>>
      %dma_start3A_14 = tpu.memref_squeeze %dma_start3A_13 : memref<1x640x128xf32, #tpu.memory_space<hbm>> -> memref<640x128xf32, #tpu.memory_space<hbm>>
      %dma_start3A_15 = arith.constant 0 : i32
      %dma_start3A_16 = tpu.memref_slice %arg10[%mul3A_10, %dma_start3A_15] : memref<10240x128xf32, #tpu.memory_space<vmem_shared>> -> memref<640x128xf32, #tpu.memory_space<vmem_shared>>
      tpu.enqueue_dma source(%dma_start3A_16 : memref<640x128xf32, #tpu.memory_space<vmem_shared>>) target(%dma_start3A_14 : memref<640x128xf32, #tpu.memory_space<hbm>>) target_semaphore(%run_scoped3A : memref<!tpu.dma_semaphore, #tpu.memory_space<semaphore_mem>>)
      %dma_wait3A = arith.constant 0 : i32
      %dma_wait3A_17 = tpu.memref_slice %arg6[%arg0, %mul3A_12, %dma_wait3A] : memref<2x10240x128xf32, #tpu.memory_space<hbm>> -> memref<1x640x128xf32, #tpu.memory_space<hbm>>
      %dma_wait3A_18 = tpu.memref_squeeze %dma_wait3A_17 : memref<1x640x128xf32, #tpu.memory_space<hbm>> -> memref<640x128xf32, #tpu.memory_space<hbm>>
      %dma_wait3A_19 = arith.constant 0 : i32
      %dma_wait3A_20 = tpu.memref_slice %arg10[%mul3A_10, %dma_wait3A_19] : memref<10240x128xf32, #tpu.memory_space<vmem_shared>> -> memref<640x128xf32, #tpu.memory_space<vmem_shared>>
      tpu.wait_dma2 semaphore(%run_scoped3A : memref<!tpu.dma_semaphore, #tpu.memory_space<semaphore_mem>>) src(%dma_wait3A_20 : memref<640x128xf32, #tpu.memory_space<vmem_shared>>) dst(%dma_wait3A_18 : memref<640x128xf32, #tpu.memory_space<hbm>>)
      tpu.yield
    }) : () -> ()
    return
  }
}

#map = affine_map<(d0, d1) -> (0, 0)>
#map1 = affine_map<(d0, d1) -> (0, 0, 0)>
module attributes {stable_mosaic.version = 14 : i64} {
  func.func @agg_kernel(%arg0: i32, %arg1: i32, %arg2: memref<10000x128xf32, #tpu.memory_space<hbm>>, %arg3: memref<32x157x64xi32, #tpu.memory_space<hbm>>, %arg4: memref<32x157x64xi32, #tpu.memory_space<hbm>>, %arg5: memref<640x128xf32, #tpu.memory_space<hbm>>, %arg6: memref<2x10240x128xf32, #tpu.memory_space<hbm>>, %arg7: memref<157x64xi32, #tpu.memory_space<vmem>>, %arg8: memref<157x64xi32, #tpu.memory_space<vmem>>, %arg9: memref<64x128xf32, #tpu.memory_space<vmem>>, %arg10: memref<10240x128xf32, #tpu.memory_space<vmem_shared>>, %arg11: memref<!tpu.dma_semaphore, #tpu.memory_space<semaphore_mem>>) attributes {dimension_semantics = [#tpu.dimension_semantics<core_parallel>, #tpu.dimension_semantics<subcore_parallel>], iteration_bounds = array<i64: 2, 16>, scalar_prefetch = 0 : i64, scratch_operands = 5 : i64, tpu.core_type = #tpu.core_type<sc_vector_subcore>, window_params = [{transform_indices = #map}, {transform_indices = #map1}, {transform_indices = #map1}, {transform_indices = #map}, {transform_indices = #map1}]} {
    %mul3A = arith.constant 16 : i32
    %mul3A_0 = arith.muli %arg0, %mul3A : i32
    %add3A = arith.addi %mul3A_0, %arg1 : i32
    "tpu.region"() ({
      %run_scoped3A = tpu.sem_alloc : memref<!tpu.dma_semaphore, #tpu.memory_space<semaphore_mem>>
      %dma_start3A = arith.constant 0 : i32
      %dma_start3A_13 = arith.constant 0 : i32
      %dma_start3A_14 = tpu.memref_slice %arg3[%add3A, %dma_start3A, %dma_start3A_13] : memref<32x157x64xi32, #tpu.memory_space<hbm>> -> memref<1x157x64xi32, #tpu.memory_space<hbm>>
      %dma_start3A_15 = tpu.memref_squeeze %dma_start3A_14 : memref<1x157x64xi32, #tpu.memory_space<hbm>> -> memref<157x64xi32, #tpu.memory_space<hbm>>
      %dma_start3A_16 = arith.constant 0 : i32
      %dma_start3A_17 = arith.constant 0 : i32
      %dma_start3A_18 = tpu.memref_slice %arg3[%add3A, %dma_start3A_16, %dma_start3A_17] : memref<32x157x64xi32, #tpu.memory_space<hbm>> -> memref<1x157x64xi32, #tpu.memory_space<hbm>>
      %dma_start3A_19 = tpu.memref_squeeze %dma_start3A_18 : memref<1x157x64xi32, #tpu.memory_space<hbm>> -> memref<157x64xi32, #tpu.memory_space<hbm>>
      tpu.enqueue_dma source(%dma_start3A_19 : memref<157x64xi32, #tpu.memory_space<hbm>>) target(%arg7 : memref<157x64xi32, #tpu.memory_space<vmem>>) target_semaphore(%run_scoped3A : memref<!tpu.dma_semaphore, #tpu.memory_space<semaphore_mem>>)
      %dma_wait3A = arith.constant 0 : i32
      %dma_wait3A_20 = arith.constant 0 : i32
      %dma_wait3A_21 = tpu.memref_slice %arg3[%add3A, %dma_wait3A, %dma_wait3A_20] : memref<32x157x64xi32, #tpu.memory_space<hbm>> -> memref<1x157x64xi32, #tpu.memory_space<hbm>>
      %dma_wait3A_22 = tpu.memref_squeeze %dma_wait3A_21 : memref<1x157x64xi32, #tpu.memory_space<hbm>> -> memref<157x64xi32, #tpu.memory_space<hbm>>
      %dma_wait3A_23 = arith.constant 0 : i32
      %dma_wait3A_24 = arith.constant 0 : i32
      %dma_wait3A_25 = tpu.memref_slice %arg3[%add3A, %dma_wait3A_23, %dma_wait3A_24] : memref<32x157x64xi32, #tpu.memory_space<hbm>> -> memref<1x157x64xi32, #tpu.memory_space<hbm>>
      %dma_wait3A_26 = tpu.memref_squeeze %dma_wait3A_25 : memref<1x157x64xi32, #tpu.memory_space<hbm>> -> memref<157x64xi32, #tpu.memory_space<hbm>>
      tpu.wait_dma2 semaphore(%run_scoped3A : memref<!tpu.dma_semaphore, #tpu.memory_space<semaphore_mem>>) src(%dma_wait3A_26 : memref<157x64xi32, #tpu.memory_space<hbm>>) dst(%arg7 : memref<157x64xi32, #tpu.memory_space<vmem>>)
      tpu.yield
    }) : () -> ()
    "tpu.region"() ({
      %run_scoped3A = tpu.sem_alloc : memref<!tpu.dma_semaphore, #tpu.memory_space<semaphore_mem>>
      %dma_start3A = arith.constant 0 : i32
      %dma_start3A_13 = arith.constant 0 : i32
      %dma_start3A_14 = tpu.memref_slice %arg4[%add3A, %dma_start3A, %dma_start3A_13] : memref<32x157x64xi32, #tpu.memory_space<hbm>> -> memref<1x157x64xi32, #tpu.memory_space<hbm>>
      %dma_start3A_15 = tpu.memref_squeeze %dma_start3A_14 : memref<1x157x64xi32, #tpu.memory_space<hbm>> -> memref<157x64xi32, #tpu.memory_space<hbm>>
      %dma_start3A_16 = arith.constant 0 : i32
      %dma_start3A_17 = arith.constant 0 : i32
      %dma_start3A_18 = tpu.memref_slice %arg4[%add3A, %dma_start3A_16, %dma_start3A_17] : memref<32x157x64xi32, #tpu.memory_space<hbm>> -> memref<1x157x64xi32, #tpu.memory_space<hbm>>
      %dma_start3A_19 = tpu.memref_squeeze %dma_start3A_18 : memref<1x157x64xi32, #tpu.memory_space<hbm>> -> memref<157x64xi32, #tpu.memory_space<hbm>>
      tpu.enqueue_dma source(%dma_start3A_19 : memref<157x64xi32, #tpu.memory_space<hbm>>) target(%arg8 : memref<157x64xi32, #tpu.memory_space<vmem>>) target_semaphore(%run_scoped3A : memref<!tpu.dma_semaphore, #tpu.memory_space<semaphore_mem>>)
      %dma_wait3A = arith.constant 0 : i32
      %dma_wait3A_20 = arith.constant 0 : i32
      %dma_wait3A_21 = tpu.memref_slice %arg4[%add3A, %dma_wait3A, %dma_wait3A_20] : memref<32x157x64xi32, #tpu.memory_space<hbm>> -> memref<1x157x64xi32, #tpu.memory_space<hbm>>
      %dma_wait3A_22 = tpu.memref_squeeze %dma_wait3A_21 : memref<1x157x64xi32, #tpu.memory_space<hbm>> -> memref<157x64xi32, #tpu.memory_space<hbm>>
      %dma_wait3A_23 = arith.constant 0 : i32
      %dma_wait3A_24 = arith.constant 0 : i32
      %dma_wait3A_25 = tpu.memref_slice %arg4[%add3A, %dma_wait3A_23, %dma_wait3A_24] : memref<32x157x64xi32, #tpu.memory_space<hbm>> -> memref<1x157x64xi32, #tpu.memory_space<hbm>>
      %dma_wait3A_26 = tpu.memref_squeeze %dma_wait3A_25 : memref<1x157x64xi32, #tpu.memory_space<hbm>> -> memref<157x64xi32, #tpu.memory_space<hbm>>
      tpu.wait_dma2 semaphore(%run_scoped3A : memref<!tpu.dma_semaphore, #tpu.memory_space<semaphore_mem>>) src(%dma_wait3A_26 : memref<157x64xi32, #tpu.memory_space<hbm>>) dst(%arg8 : memref<157x64xi32, #tpu.memory_space<vmem>>)
      tpu.yield
    }) : () -> ()
    %mul3A_1 = arith.constant 640 : i32
    %mul3A_2 = arith.muli %arg1, %mul3A_1 : i32
    "tpu.region"() ({
      %run_scoped3A = tpu.sem_alloc : memref<!tpu.dma_semaphore, #tpu.memory_space<semaphore_mem>>
      %dma_start3A = arith.constant 0 : i32
      %dma_start3A_13 = tpu.memref_slice %arg10[%mul3A_2, %dma_start3A] : memref<10240x128xf32, #tpu.memory_space<vmem_shared>> -> memref<640x128xf32, #tpu.memory_space<vmem_shared>>
      tpu.enqueue_dma source(%arg5 : memref<640x128xf32, #tpu.memory_space<hbm>>) target(%dma_start3A_13 : memref<640x128xf32, #tpu.memory_space<vmem_shared>>) target_semaphore(%run_scoped3A : memref<!tpu.dma_semaphore, #tpu.memory_space<semaphore_mem>>)
      %dma_wait3A = arith.constant 0 : i32
      %dma_wait3A_14 = tpu.memref_slice %arg10[%mul3A_2, %dma_wait3A] : memref<10240x128xf32, #tpu.memory_space<vmem_shared>> -> memref<640x128xf32, #tpu.memory_space<vmem_shared>>
      tpu.wait_dma2 semaphore(%run_scoped3A : memref<!tpu.dma_semaphore, #tpu.memory_space<semaphore_mem>>) src(%arg5 : memref<640x128xf32, #tpu.memory_space<hbm>>) dst(%dma_wait3A_14 : memref<640x128xf32, #tpu.memory_space<vmem_shared>>)
      tpu.yield
    }) : () -> ()
    %barrier3A = arith.constant 0 : index
    tpu.barrier barrier_id(%barrier3A)
    %scan3A = arith.constant 0 : i32
    %scan3A_3 = arith.constant 0 : i32
    %scan3A_4 = arith.constant 157 : i32
    %scan3A_5 = arith.addi %scan3A_3, %scan3A_4 : i32
    %scan3A_6 = arith.constant 1 : i32
    scf.for %scan3A_13 = %scan3A_3 to %scan3A_5 step %scan3A_6  : i32 {
      %dma_start3A = arith.constant 0 : i32
      %dma_start3A_14 = tpu.memref_slice %arg7[%scan3A_13, %dma_start3A] : memref<157x64xi32, #tpu.memory_space<vmem>> -> memref<1x64xi32, #tpu.memory_space<vmem>>
      %dma_start3A_15 = tpu.memref_squeeze %dma_start3A_14 : memref<1x64xi32, #tpu.memory_space<vmem>> -> memref<64xi32, #tpu.memory_space<vmem>>
      %dma_start3A_16 = arith.constant 0 : i32
      %dma_start3A_17 = arith.constant 0 : i32
      %dma_start3A_18 = tpu.memref_slice %arg2[%dma_start3A_16, %dma_start3A_17] : memref<10000x128xf32, #tpu.memory_space<hbm>> -> memref<10000x128xf32, #tpu.memory_space<hbm>>
      tpu.enqueue_indirect_dma source(%dma_start3A_18 : memref<10000x128xf32, #tpu.memory_space<hbm>>) target(%arg9 : memref<64x128xf32, #tpu.memory_space<vmem>>) offsets(%dma_start3A_15 : memref<64xi32, #tpu.memory_space<vmem>>) semaphore(%arg11 : memref<!tpu.dma_semaphore, #tpu.memory_space<semaphore_mem>>)
      %dma_wait3A = arith.constant 0 : i32
      %dma_wait3A_19 = tpu.memref_slice %arg7[%scan3A_13, %dma_wait3A] : memref<157x64xi32, #tpu.memory_space<vmem>> -> memref<1x64xi32, #tpu.memory_space<vmem>>
      %dma_wait3A_20 = tpu.memref_squeeze %dma_wait3A_19 : memref<1x64xi32, #tpu.memory_space<vmem>> -> memref<64xi32, #tpu.memory_space<vmem>>
      %dma_wait3A_21 = arith.constant 0 : i32
      %dma_wait3A_22 = arith.constant 0 : i32
      %dma_wait3A_23 = tpu.memref_slice %arg2[%dma_wait3A_21, %dma_wait3A_22] : memref<10000x128xf32, #tpu.memory_space<hbm>> -> memref<10000x128xf32, #tpu.memory_space<hbm>>
      tpu.wait_indirect_dma semaphore(%arg11 : memref<!tpu.dma_semaphore, #tpu.memory_space<semaphore_mem>>) src(%dma_wait3A_23 : memref<10000x128xf32, #tpu.memory_space<hbm>>) dst(%arg9 : memref<64x128xf32, #tpu.memory_space<vmem>>)
      "tpu.region"() ({
        %run_scoped3A = tpu.sem_alloc : memref<!tpu.dma_semaphore, #tpu.memory_space<semaphore_mem>>
        %dma_start3A_24 = arith.constant 0 : i32
        %dma_start3A_25 = tpu.memref_slice %arg8[%scan3A_13, %dma_start3A_24] : memref<157x64xi32, #tpu.memory_space<vmem>> -> memref<1x64xi32, #tpu.memory_space<vmem>>
        %dma_start3A_26 = tpu.memref_squeeze %dma_start3A_25 : memref<1x64xi32, #tpu.memory_space<vmem>> -> memref<64xi32, #tpu.memory_space<vmem>>
        %dma_start3A_27 = arith.constant 0 : i32
        %dma_start3A_28 = arith.constant 0 : i32
        %dma_start3A_29 = tpu.memref_slice %arg10[%dma_start3A_27, %dma_start3A_28] : memref<10240x128xf32, #tpu.memory_space<vmem_shared>> -> memref<10240x128xf32, #tpu.memory_space<vmem_shared>>
        tpu.enqueue_indirect_dma source(%arg9 : memref<64x128xf32, #tpu.memory_space<vmem>>) target(%dma_start3A_29 : memref<10240x128xf32, #tpu.memory_space<vmem_shared>>) offsets(%dma_start3A_26 : memref<64xi32, #tpu.memory_space<vmem>>) semaphore(%run_scoped3A : memref<!tpu.dma_semaphore, #tpu.memory_space<semaphore_mem>>) {add = true}
        %dma_wait3A_30 = arith.constant 0 : i32
        %dma_wait3A_31 = tpu.memref_slice %arg8[%scan3A_13, %dma_wait3A_30] : memref<157x64xi32, #tpu.memory_space<vmem>> -> memref<1x64xi32, #tpu.memory_space<vmem>>
        %dma_wait3A_32 = tpu.memref_squeeze %dma_wait3A_31 : memref<1x64xi32, #tpu.memory_space<vmem>> -> memref<64xi32, #tpu.memory_space<vmem>>
        %dma_wait3A_33 = arith.constant 0 : i32
        %dma_wait3A_34 = arith.constant 0 : i32
        %dma_wait3A_35 = tpu.memref_slice %arg10[%dma_wait3A_33, %dma_wait3A_34] : memref<10240x128xf32, #tpu.memory_space<vmem_shared>> -> memref<10240x128xf32, #tpu.memory_space<vmem_shared>>
        tpu.wait_indirect_dma semaphore(%run_scoped3A : memref<!tpu.dma_semaphore, #tpu.memory_space<semaphore_mem>>) src(%arg9 : memref<64x128xf32, #tpu.memory_space<vmem>>) dst(%dma_wait3A_35 : memref<10240x128xf32, #tpu.memory_space<vmem_shared>>)
        tpu.yield
      }) : () -> ()
    }
    %scan3A_7 = arith.constant 157 : i32
    %barrier3A_8 = arith.constant 0 : index
    tpu.barrier barrier_id(%barrier3A_8)
    %mul3A_9 = arith.constant 640 : i32
    %mul3A_10 = arith.muli %arg1, %mul3A_9 : i32
    %mul3A_11 = arith.constant 640 : i32
    %mul3A_12 = arith.muli %arg1, %mul3A_11 : i32
    "tpu.region"() ({
      %run_scoped3A = tpu.sem_alloc : memref<!tpu.dma_semaphore, #tpu.memory_space<semaphore_mem>>
      %dma_start3A = arith.constant 0 : i32
      %dma_start3A_13 = tpu.memref_slice %arg6[%arg0, %mul3A_12, %dma_start3A] : memref<2x10240x128xf32, #tpu.memory_space<hbm>> -> memref<1x640x128xf32, #tpu.memory_space<hbm>>
      %dma_start3A_14 = tpu.memref_squeeze %dma_start3A_13 : memref<1x640x128xf32, #tpu.memory_space<hbm>> -> memref<640x128xf32, #tpu.memory_space<hbm>>
      %dma_start3A_15 = arith.constant 0 : i32
      %dma_start3A_16 = tpu.memref_slice %arg10[%mul3A_10, %dma_start3A_15] : memref<10240x128xf32, #tpu.memory_space<vmem_shared>> -> memref<640x128xf32, #tpu.memory_space<vmem_shared>>
      tpu.enqueue_dma source(%dma_start3A_16 : memref<640x128xf32, #tpu.memory_space<vmem_shared>>) target(%dma_start3A_14 : memref<640x128xf32, #tpu.memory_space<hbm>>) target_semaphore(%run_scoped3A : memref<!tpu.dma_semaphore, #tpu.memory_space<semaphore_mem>>)
      %dma_wait3A = arith.constant 0 : i32
      %dma_wait3A_17 = tpu.memref_slice %arg6[%arg0, %mul3A_12, %dma_wait3A] : memref<2x10240x128xf32, #tpu.memory_space<hbm>> -> memref<1x640x128xf32, #tpu.memory_space<hbm>>
      %dma_wait3A_18 = tpu.memref_squeeze %dma_wait3A_17 : memref<1x640x128xf32, #tpu.memory_space<hbm>> -> memref<640x128xf32, #tpu.memory_space<hbm>>
      %dma_wait3A_19 = arith.constant 0 : i32
      %dma_wait3A_20 = tpu.memref_slice %arg10[%mul3A_10, %dma_wait3A_19] : memref<10240x128xf32, #tpu.memory_space<vmem_shared>> -> memref<640x128xf32, #tpu.memory_space<vmem_shared>>
      tpu.wait_dma2 semaphore(%run_scoped3A : memref<!tpu.dma_semaphore, #tpu.memory_space<semaphore_mem>>) src(%dma_wait3A_20 : memref<640x128xf32, #tpu.memory_space<vmem_shared>>) dst(%dma_wait3A_18 : memref<640x128xf32, #tpu.memory_space<hbm>>)
      tpu.yield
    }) : () -> ()
    return
  }
}

#map = affine_map<(d0, d1) -> (0, 0)>
#map1 = affine_map<(d0, d1) -> (0, 0, 0)>
module attributes {stable_mosaic.version = 14 : i64} {
  func.func @agg_kernel(%arg0: i32, %arg1: i32, %arg2: memref<10000x128xf32, #tpu.memory_space<hbm>>, %arg3: memref<32x157x64xi32, #tpu.memory_space<hbm>>, %arg4: memref<32x157x64xi32, #tpu.memory_space<hbm>>, %arg5: memref<640x128xf32, #tpu.memory_space<hbm>>, %arg6: memref<2x10240x128xf32, #tpu.memory_space<hbm>>, %arg7: memref<157x64xi32, #tpu.memory_space<vmem>>, %arg8: memref<157x64xi32, #tpu.memory_space<vmem>>, %arg9: memref<64x128xf32, #tpu.memory_space<vmem>>, %arg10: memref<10240x128xf32, #tpu.memory_space<vmem_shared>>, %arg11: memref<!tpu.dma_semaphore, #tpu.memory_space<semaphore_mem>>) attributes {dimension_semantics = [#tpu.dimension_semantics<core_parallel>, #tpu.dimension_semantics<subcore_parallel>], iteration_bounds = array<i64: 2, 16>, scalar_prefetch = 0 : i64, scratch_operands = 5 : i64, tpu.core_type = #tpu.core_type<sc_vector_subcore>, window_params = [{transform_indices = #map}, {transform_indices = #map1}, {transform_indices = #map1}, {transform_indices = #map}, {transform_indices = #map1}]} {
    %mul3A = arith.constant 16 : i32
    %mul3A_0 = arith.muli %arg0, %mul3A : i32
    %add3A = arith.addi %mul3A_0, %arg1 : i32
    "tpu.region"() ({
      %run_scoped3A = tpu.sem_alloc : memref<!tpu.dma_semaphore, #tpu.memory_space<semaphore_mem>>
      %dma_start3A = arith.constant 0 : i32
      %dma_start3A_13 = arith.constant 0 : i32
      %dma_start3A_14 = tpu.memref_slice %arg3[%add3A, %dma_start3A, %dma_start3A_13] : memref<32x157x64xi32, #tpu.memory_space<hbm>> -> memref<1x157x64xi32, #tpu.memory_space<hbm>>
      %dma_start3A_15 = tpu.memref_squeeze %dma_start3A_14 : memref<1x157x64xi32, #tpu.memory_space<hbm>> -> memref<157x64xi32, #tpu.memory_space<hbm>>
      %dma_start3A_16 = arith.constant 0 : i32
      %dma_start3A_17 = arith.constant 0 : i32
      %dma_start3A_18 = tpu.memref_slice %arg3[%add3A, %dma_start3A_16, %dma_start3A_17] : memref<32x157x64xi32, #tpu.memory_space<hbm>> -> memref<1x157x64xi32, #tpu.memory_space<hbm>>
      %dma_start3A_19 = tpu.memref_squeeze %dma_start3A_18 : memref<1x157x64xi32, #tpu.memory_space<hbm>> -> memref<157x64xi32, #tpu.memory_space<hbm>>
      tpu.enqueue_dma source(%dma_start3A_19 : memref<157x64xi32, #tpu.memory_space<hbm>>) target(%arg7 : memref<157x64xi32, #tpu.memory_space<vmem>>) target_semaphore(%run_scoped3A : memref<!tpu.dma_semaphore, #tpu.memory_space<semaphore_mem>>)
      %dma_wait3A = arith.constant 0 : i32
      %dma_wait3A_20 = arith.constant 0 : i32
      %dma_wait3A_21 = tpu.memref_slice %arg3[%add3A, %dma_wait3A, %dma_wait3A_20] : memref<32x157x64xi32, #tpu.memory_space<hbm>> -> memref<1x157x64xi32, #tpu.memory_space<hbm>>
      %dma_wait3A_22 = tpu.memref_squeeze %dma_wait3A_21 : memref<1x157x64xi32, #tpu.memory_space<hbm>> -> memref<157x64xi32, #tpu.memory_space<hbm>>
      %dma_wait3A_23 = arith.constant 0 : i32
      %dma_wait3A_24 = arith.constant 0 : i32
      %dma_wait3A_25 = tpu.memref_slice %arg3[%add3A, %dma_wait3A_23, %dma_wait3A_24] : memref<32x157x64xi32, #tpu.memory_space<hbm>> -> memref<1x157x64xi32, #tpu.memory_space<hbm>>
      %dma_wait3A_26 = tpu.memref_squeeze %dma_wait3A_25 : memref<1x157x64xi32, #tpu.memory_space<hbm>> -> memref<157x64xi32, #tpu.memory_space<hbm>>
      tpu.wait_dma2 semaphore(%run_scoped3A : memref<!tpu.dma_semaphore, #tpu.memory_space<semaphore_mem>>) src(%dma_wait3A_26 : memref<157x64xi32, #tpu.memory_space<hbm>>) dst(%arg7 : memref<157x64xi32, #tpu.memory_space<vmem>>)
      tpu.yield
    }) : () -> ()
    "tpu.region"() ({
      %run_scoped3A = tpu.sem_alloc : memref<!tpu.dma_semaphore, #tpu.memory_space<semaphore_mem>>
      %dma_start3A = arith.constant 0 : i32
      %dma_start3A_13 = arith.constant 0 : i32
      %dma_start3A_14 = tpu.memref_slice %arg4[%add3A, %dma_start3A, %dma_start3A_13] : memref<32x157x64xi32, #tpu.memory_space<hbm>> -> memref<1x157x64xi32, #tpu.memory_space<hbm>>
      %dma_start3A_15 = tpu.memref_squeeze %dma_start3A_14 : memref<1x157x64xi32, #tpu.memory_space<hbm>> -> memref<157x64xi32, #tpu.memory_space<hbm>>
      %dma_start3A_16 = arith.constant 0 : i32
      %dma_start3A_17 = arith.constant 0 : i32
      %dma_start3A_18 = tpu.memref_slice %arg4[%add3A, %dma_start3A_16, %dma_start3A_17] : memref<32x157x64xi32, #tpu.memory_space<hbm>> -> memref<1x157x64xi32, #tpu.memory_space<hbm>>
      %dma_start3A_19 = tpu.memref_squeeze %dma_start3A_18 : memref<1x157x64xi32, #tpu.memory_space<hbm>> -> memref<157x64xi32, #tpu.memory_space<hbm>>
      tpu.enqueue_dma source(%dma_start3A_19 : memref<157x64xi32, #tpu.memory_space<hbm>>) target(%arg8 : memref<157x64xi32, #tpu.memory_space<vmem>>) target_semaphore(%run_scoped3A : memref<!tpu.dma_semaphore, #tpu.memory_space<semaphore_mem>>)
      %dma_wait3A = arith.constant 0 : i32
      %dma_wait3A_20 = arith.constant 0 : i32
      %dma_wait3A_21 = tpu.memref_slice %arg4[%add3A, %dma_wait3A, %dma_wait3A_20] : memref<32x157x64xi32, #tpu.memory_space<hbm>> -> memref<1x157x64xi32, #tpu.memory_space<hbm>>
      %dma_wait3A_22 = tpu.memref_squeeze %dma_wait3A_21 : memref<1x157x64xi32, #tpu.memory_space<hbm>> -> memref<157x64xi32, #tpu.memory_space<hbm>>
      %dma_wait3A_23 = arith.constant 0 : i32
      %dma_wait3A_24 = arith.constant 0 : i32
      %dma_wait3A_25 = tpu.memref_slice %arg4[%add3A, %dma_wait3A_23, %dma_wait3A_24] : memref<32x157x64xi32, #tpu.memory_space<hbm>> -> memref<1x157x64xi32, #tpu.memory_space<hbm>>
      %dma_wait3A_26 = tpu.memref_squeeze %dma_wait3A_25 : memref<1x157x64xi32, #tpu.memory_space<hbm>> -> memref<157x64xi32, #tpu.memory_space<hbm>>
      tpu.wait_dma2 semaphore(%run_scoped3A : memref<!tpu.dma_semaphore, #tpu.memory_space<semaphore_mem>>) src(%dma_wait3A_26 : memref<157x64xi32, #tpu.memory_space<hbm>>) dst(%arg8 : memref<157x64xi32, #tpu.memory_space<vmem>>)
      tpu.yield
    }) : () -> ()
    %mul3A_1 = arith.constant 640 : i32
    %mul3A_2 = arith.muli %arg1, %mul3A_1 : i32
    "tpu.region"() ({
      %run_scoped3A = tpu.sem_alloc : memref<!tpu.dma_semaphore, #tpu.memory_space<semaphore_mem>>
      %dma_start3A = arith.constant 0 : i32
      %dma_start3A_13 = tpu.memref_slice %arg10[%mul3A_2, %dma_start3A] : memref<10240x128xf32, #tpu.memory_space<vmem_shared>> -> memref<640x128xf32, #tpu.memory_space<vmem_shared>>
      tpu.enqueue_dma source(%arg5 : memref<640x128xf32, #tpu.memory_space<hbm>>) target(%dma_start3A_13 : memref<640x128xf32, #tpu.memory_space<vmem_shared>>) target_semaphore(%run_scoped3A : memref<!tpu.dma_semaphore, #tpu.memory_space<semaphore_mem>>)
      %dma_wait3A = arith.constant 0 : i32
      %dma_wait3A_14 = tpu.memref_slice %arg10[%mul3A_2, %dma_wait3A] : memref<10240x128xf32, #tpu.memory_space<vmem_shared>> -> memref<640x128xf32, #tpu.memory_space<vmem_shared>>
      tpu.wait_dma2 semaphore(%run_scoped3A : memref<!tpu.dma_semaphore, #tpu.memory_space<semaphore_mem>>) src(%arg5 : memref<640x128xf32, #tpu.memory_space<hbm>>) dst(%dma_wait3A_14 : memref<640x128xf32, #tpu.memory_space<vmem_shared>>)
      tpu.yield
    }) : () -> ()
    %barrier3A = arith.constant 0 : index
    tpu.barrier barrier_id(%barrier3A)
    %scan3A = arith.constant 0 : i32
    %scan3A_3 = arith.constant 0 : i32
    %scan3A_4 = arith.constant 157 : i32
    %scan3A_5 = arith.addi %scan3A_3, %scan3A_4 : i32
    %scan3A_6 = arith.constant 1 : i32
    scf.for %scan3A_13 = %scan3A_3 to %scan3A_5 step %scan3A_6  : i32 {
      %dma_start3A = arith.constant 0 : i32
      %dma_start3A_14 = tpu.memref_slice %arg7[%scan3A_13, %dma_start3A] : memref<157x64xi32, #tpu.memory_space<vmem>> -> memref<1x64xi32, #tpu.memory_space<vmem>>
      %dma_start3A_15 = tpu.memref_squeeze %dma_start3A_14 : memref<1x64xi32, #tpu.memory_space<vmem>> -> memref<64xi32, #tpu.memory_space<vmem>>
      %dma_start3A_16 = arith.constant 0 : i32
      %dma_start3A_17 = arith.constant 0 : i32
      %dma_start3A_18 = tpu.memref_slice %arg2[%dma_start3A_16, %dma_start3A_17] : memref<10000x128xf32, #tpu.memory_space<hbm>> -> memref<10000x128xf32, #tpu.memory_space<hbm>>
      tpu.enqueue_indirect_dma source(%dma_start3A_18 : memref<10000x128xf32, #tpu.memory_space<hbm>>) target(%arg9 : memref<64x128xf32, #tpu.memory_space<vmem>>) offsets(%dma_start3A_15 : memref<64xi32, #tpu.memory_space<vmem>>) semaphore(%arg11 : memref<!tpu.dma_semaphore, #tpu.memory_space<semaphore_mem>>)
      %dma_wait3A = arith.constant 0 : i32
      %dma_wait3A_19 = tpu.memref_slice %arg7[%scan3A_13, %dma_wait3A] : memref<157x64xi32, #tpu.memory_space<vmem>> -> memref<1x64xi32, #tpu.memory_space<vmem>>
      %dma_wait3A_20 = tpu.memref_squeeze %dma_wait3A_19 : memref<1x64xi32, #tpu.memory_space<vmem>> -> memref<64xi32, #tpu.memory_space<vmem>>
      %dma_wait3A_21 = arith.constant 0 : i32
      %dma_wait3A_22 = arith.constant 0 : i32
      %dma_wait3A_23 = tpu.memref_slice %arg2[%dma_wait3A_21, %dma_wait3A_22] : memref<10000x128xf32, #tpu.memory_space<hbm>> -> memref<10000x128xf32, #tpu.memory_space<hbm>>
      tpu.wait_indirect_dma semaphore(%arg11 : memref<!tpu.dma_semaphore, #tpu.memory_space<semaphore_mem>>) src(%dma_wait3A_23 : memref<10000x128xf32, #tpu.memory_space<hbm>>) dst(%arg9 : memref<64x128xf32, #tpu.memory_space<vmem>>)
      "tpu.region"() ({
        %run_scoped3A = tpu.sem_alloc : memref<!tpu.dma_semaphore, #tpu.memory_space<semaphore_mem>>
        %dma_start3A_24 = arith.constant 0 : i32
        %dma_start3A_25 = tpu.memref_slice %arg8[%scan3A_13, %dma_start3A_24] : memref<157x64xi32, #tpu.memory_space<vmem>> -> memref<1x64xi32, #tpu.memory_space<vmem>>
        %dma_start3A_26 = tpu.memref_squeeze %dma_start3A_25 : memref<1x64xi32, #tpu.memory_space<vmem>> -> memref<64xi32, #tpu.memory_space<vmem>>
        %dma_start3A_27 = arith.constant 0 : i32
        %dma_start3A_28 = arith.constant 0 : i32
        %dma_start3A_29 = tpu.memref_slice %arg10[%dma_start3A_27, %dma_start3A_28] : memref<10240x128xf32, #tpu.memory_space<vmem_shared>> -> memref<10240x128xf32, #tpu.memory_space<vmem_shared>>
        tpu.enqueue_indirect_dma source(%arg9 : memref<64x128xf32, #tpu.memory_space<vmem>>) target(%dma_start3A_29 : memref<10240x128xf32, #tpu.memory_space<vmem_shared>>) offsets(%dma_start3A_26 : memref<64xi32, #tpu.memory_space<vmem>>) semaphore(%run_scoped3A : memref<!tpu.dma_semaphore, #tpu.memory_space<semaphore_mem>>) {add = true}
        %dma_wait3A_30 = arith.constant 0 : i32
        %dma_wait3A_31 = tpu.memref_slice %arg8[%scan3A_13, %dma_wait3A_30] : memref<157x64xi32, #tpu.memory_space<vmem>> -> memref<1x64xi32, #tpu.memory_space<vmem>>
        %dma_wait3A_32 = tpu.memref_squeeze %dma_wait3A_31 : memref<1x64xi32, #tpu.memory_space<vmem>> -> memref<64xi32, #tpu.memory_space<vmem>>
        %dma_wait3A_33 = arith.constant 0 : i32
        %dma_wait3A_34 = arith.constant 0 : i32
        %dma_wait3A_35 = tpu.memref_slice %arg10[%dma_wait3A_33, %dma_wait3A_34] : memref<10240x128xf32, #tpu.memory_space<vmem_shared>> -> memref<10240x128xf32, #tpu.memory_space<vmem_shared>>
        tpu.wait_indirect_dma semaphore(%run_scoped3A : memref<!tpu.dma_semaphore, #tpu.memory_space<semaphore_mem>>) src(%arg9 : memref<64x128xf32, #tpu.memory_space<vmem>>) dst(%dma_wait3A_35 : memref<10240x128xf32, #tpu.memory_space<vmem_shared>>)
        tpu.yield
      }) : () -> ()
    }
    %scan3A_7 = arith.constant 157 : i32
    %barrier3A_8 = arith.constant 0 : index
    tpu.barrier barrier_id(%barrier3A_8)
    %mul3A_9 = arith.constant 640 : i32
    %mul3A_10 = arith.muli %arg1, %mul3A_9 : i32
    %mul3A_11 = arith.constant 640 : i32
    %mul3A_12 = arith.muli %arg1, %mul3A_11 : i32
    "tpu.region"() ({
      %run_scoped3A = tpu.sem_alloc : memref<!tpu.dma_semaphore, #tpu.memory_space<semaphore_mem>>
      %dma_start3A = arith.constant 0 : i32
      %dma_start3A_13 = tpu.memref_slice %arg6[%arg0, %mul3A_12, %dma_start3A] : memref<2x10240x128xf32, #tpu.memory_space<hbm>> -> memref<1x640x128xf32, #tpu.memory_space<hbm>>
      %dma_start3A_14 = tpu.memref_squeeze %dma_start3A_13 : memref<1x640x128xf32, #tpu.memory_space<hbm>> -> memref<640x128xf32, #tpu.memory_space<hbm>>
      %dma_start3A_15 = arith.constant 0 : i32
      %dma_start3A_16 = tpu.memref_slice %arg10[%mul3A_10, %dma_start3A_15] : memref<10240x128xf32, #tpu.memory_space<vmem_shared>> -> memref<640x128xf32, #tpu.memory_space<vmem_shared>>
      tpu.enqueue_dma source(%dma_start3A_16 : memref<640x128xf32, #tpu.memory_space<vmem_shared>>) target(%dma_start3A_14 : memref<640x128xf32, #tpu.memory_space<hbm>>) target_semaphore(%run_scoped3A : memref<!tpu.dma_semaphore, #tpu.memory_space<semaphore_mem>>)
      %dma_wait3A = arith.constant 0 : i32
      %dma_wait3A_17 = tpu.memref_slice %arg6[%arg0, %mul3A_12, %dma_wait3A] : memref<2x10240x128xf32, #tpu.memory_space<hbm>> -> memref<1x640x128xf32, #tpu.memory_space<hbm>>
      %dma_wait3A_18 = tpu.memref_squeeze %dma_wait3A_17 : memref<1x640x128xf32, #tpu.memory_space<hbm>> -> memref<640x128xf32, #tpu.memory_space<hbm>>
      %dma_wait3A_19 = arith.constant 0 : i32
      %dma_wait3A_20 = tpu.memref_slice %arg10[%mul3A_10, %dma_wait3A_19] : memref<10240x128xf32, #tpu.memory_space<vmem_shared>> -> memref<640x128xf32, #tpu.memory_space<vmem_shared>>
      tpu.wait_dma2 semaphore(%run_scoped3A : memref<!tpu.dma_semaphore, #tpu.memory_space<semaphore_mem>>) src(%dma_wait3A_20 : memref<640x128xf32, #tpu.memory_space<vmem_shared>>) dst(%dma_wait3A_18 : memref<640x128xf32, #tpu.memory_space<hbm>>)
      tpu.yield
    }) : () -> ()
    return
  }
}

module attributes {stable_mosaic.version = 14 : i64} {
  func.func @_tc_layer_body(%arg0: memref<10000x128xf32, #tpu.memory_space<vmem>>, %arg1: memref<2x10240x128xf32, #tpu.memory_space<vmem>>, %arg2: memref<10240x32xf32, #tpu.memory_space<vmem>>, %arg3: memref<128x128xf32, #tpu.memory_space<vmem>>, %arg4: memref<1x128xf32, #tpu.memory_space<vmem>>, %arg5: memref<128x128xf32, #tpu.memory_space<vmem>>, %arg6: memref<1x128xf32, #tpu.memory_space<vmem>>, %arg7: memref<1x128xf32, #tpu.memory_space<vmem>>, %arg8: memref<10000x128xf32, #tpu.memory_space<vmem>>) attributes {dimension_semantics = [], scalar_prefetch = 0 : i64, scratch_operands = 0 : i64, tpu.core_type = #tpu.core_type<tc>} {
    %get3A = arith.constant 0 : index
    %get3A_0 = arith.constant 0 : index
    %get3A_1 = vector.load %arg2[%get3A, %get3A_0] : memref<10240x32xf32, #tpu.memory_space<vmem>>, vector<10240x32xf32>
    %reduce_sum3A = arith.constant dense<0.000000e+00> : vector<10240xf32>
    %reduce_sum3A_2 = vector.multi_reduction <add>, %get3A_1, %reduce_sum3A [1] : vector<10240x32xf32> to vector<10240xf32>
    %broadcast_in_dim3A = vector.shape_cast %reduce_sum3A_2 : vector<10240xf32> to vector<10240x1xf32>
    %slice3A = vector.extract_strided_slice %broadcast_in_dim3A {offsets = [0, 0], sizes = [10000, 1], strides = [1, 1]} : vector<10240x1xf32> to vector<10000x1xf32>
    %max3A = arith.constant 1.000000e+00 : f32
    %max3A_3 = vector.broadcast %max3A : f32 to vector<10000x1xf32>
    %max3A_4 = arith.maximumf %slice3A, %max3A_3 : vector<10000x1xf32>
    %get3A_5 = arith.constant 0 : index
    %get3A_6 = arith.constant 0 : index
    %get3A_7 = arith.constant 0 : index
    %get3A_8 = vector.load %arg1[%get3A_5, %get3A_6, %get3A_7] : memref<2x10240x128xf32, #tpu.memory_space<vmem>>, vector<1x10240x128xf32>
    %get3A_9 = vector.shape_cast %get3A_8 : vector<1x10240x128xf32> to vector<10240x128xf32>
    %get3A_10 = arith.constant 1 : index
    %get3A_11 = arith.constant 0 : index
    %get3A_12 = arith.constant 0 : index
    %get3A_13 = vector.load %arg1[%get3A_10, %get3A_11, %get3A_12] : memref<2x10240x128xf32, #tpu.memory_space<vmem>>, vector<1x10240x128xf32>
    %get3A_14 = vector.shape_cast %get3A_13 : vector<1x10240x128xf32> to vector<10240x128xf32>
    %add3A = arith.addf %get3A_9, %get3A_14 : vector<10240x128xf32>
    %slice3A_15 = vector.extract_strided_slice %add3A {offsets = [0, 0], sizes = [10000, 128], strides = [1, 1]} : vector<10240x128xf32> to vector<10000x128xf32>
    %div3A = vector.broadcast %max3A_4 : vector<10000x1xf32> to vector<10000x128xf32>
    %div3A_16 = arith.divf %slice3A_15, %div3A : vector<10000x128xf32>
    %get3A_17 = arith.constant 0 : index
    %get3A_18 = arith.constant 0 : index
    %get3A_19 = vector.load %arg0[%get3A_17, %get3A_18] : memref<10000x128xf32, #tpu.memory_space<vmem>>, vector<10000x128xf32>
    %get3A_20 = arith.constant 0 : index
    %get3A_21 = arith.constant 0 : index
    %get3A_22 = vector.load %arg3[%get3A_20, %get3A_21] : memref<128x128xf32, #tpu.memory_space<vmem>>, vector<128x128xf32>
    %dot_general3A = arith.constant dense<0.000000e+00> : vector<10000x128xf32>
    %dot_general3A_23 = tpu.matmul %div3A_16, %get3A_22, %dot_general3A {dimension_numbers = #tpu.dot_dimension_numbers<[1], [1], [0], [0], [0, 0, 1, 0], [], []>, transpose_lhs_hint = false} : vector<10000x128xf32>, vector<128x128xf32>, vector<10000x128xf32> -> vector<10000x128xf32>
    %get3A_24 = arith.constant 0 : index
    %get3A_25 = arith.constant 0 : index
    %get3A_26 = vector.load %arg5[%get3A_24, %get3A_25] : memref<128x128xf32, #tpu.memory_space<vmem>>, vector<128x128xf32>
    %dot_general3A_27 = arith.constant dense<0.000000e+00> : vector<10000x128xf32>
    %dot_general3A_28 = tpu.matmul %get3A_19, %get3A_26, %dot_general3A_27 {dimension_numbers = #tpu.dot_dimension_numbers<[1], [1], [0], [0], [0, 0, 1, 0], [], []>, transpose_lhs_hint = false} : vector<10000x128xf32>, vector<128x128xf32>, vector<10000x128xf32> -> vector<10000x128xf32>
    %add3A_29 = arith.addf %dot_general3A_23, %dot_general3A_28 : vector<10000x128xf32>
    %get3A_30 = arith.constant 0 : index
    %get3A_31 = arith.constant 0 : index
    %get3A_32 = vector.load %arg4[%get3A_30, %get3A_31] : memref<1x128xf32, #tpu.memory_space<vmem>>, vector<1x128xf32>
    %add3A_33 = vector.broadcast %get3A_32 : vector<1x128xf32> to vector<10000x128xf32>
    %add3A_34 = arith.addf %add3A_29, %add3A_33 : vector<10000x128xf32>
    %reduce_sum3A_35 = arith.constant dense<0.000000e+00> : vector<128xf32>
    %reduce_sum3A_36 = vector.multi_reduction <add>, %add3A_34, %reduce_sum3A_35 [0] : vector<10000x128xf32> to vector<128xf32>
    %broadcast_in_dim3A_37 = vector.shape_cast %reduce_sum3A_36 : vector<128xf32> to vector<1x128xf32>
    %div3A_38 = arith.constant 1.000000e+04 : f32
    %div3A_39 = vector.broadcast %div3A_38 : f32 to vector<1x128xf32>
    %div3A_40 = arith.divf %broadcast_in_dim3A_37, %div3A_39 : vector<1x128xf32>
    %sub3A = vector.broadcast %div3A_40 : vector<1x128xf32> to vector<10000x128xf32>
    %sub3A_41 = arith.subf %add3A_34, %sub3A : vector<10000x128xf32>
    %mul3A = arith.mulf %sub3A_41, %sub3A_41 : vector<10000x128xf32>
    %reduce_sum3A_42 = arith.constant dense<0.000000e+00> : vector<128xf32>
    %reduce_sum3A_43 = vector.multi_reduction <add>, %mul3A, %reduce_sum3A_42 [0] : vector<10000x128xf32> to vector<128xf32>
    %broadcast_in_dim3A_44 = vector.shape_cast %reduce_sum3A_43 : vector<128xf32> to vector<1x128xf32>
    %div3A_45 = arith.constant 1.000000e+04 : f32
    %div3A_46 = vector.broadcast %div3A_45 : f32 to vector<1x128xf32>
    %div3A_47 = arith.divf %broadcast_in_dim3A_44, %div3A_46 : vector<1x128xf32>
    %add3A_48 = arith.constant 9.99999974E-6 : f32
    %add3A_49 = vector.broadcast %add3A_48 : f32 to vector<1x128xf32>
    %add3A_50 = arith.addf %div3A_47, %add3A_49 : vector<1x128xf32>
    %rsqrt3A = math.rsqrt %add3A_50 : vector<1x128xf32>
    %mul3A_51 = vector.broadcast %rsqrt3A : vector<1x128xf32> to vector<10000x128xf32>
    %mul3A_52 = arith.mulf %sub3A_41, %mul3A_51 : vector<10000x128xf32>
    %get3A_53 = arith.constant 0 : index
    %get3A_54 = arith.constant 0 : index
    %get3A_55 = vector.load %arg6[%get3A_53, %get3A_54] : memref<1x128xf32, #tpu.memory_space<vmem>>, vector<1x128xf32>
    %mul3A_56 = vector.broadcast %get3A_55 : vector<1x128xf32> to vector<10000x128xf32>
    %mul3A_57 = arith.mulf %mul3A_52, %mul3A_56 : vector<10000x128xf32>
    %get3A_58 = arith.constant 0 : index
    %get3A_59 = arith.constant 0 : index
    %get3A_60 = vector.load %arg7[%get3A_58, %get3A_59] : memref<1x128xf32, #tpu.memory_space<vmem>>, vector<1x128xf32>
    %add3A_61 = vector.broadcast %get3A_60 : vector<1x128xf32> to vector<10000x128xf32>
    %add3A_62 = arith.addf %mul3A_57, %add3A_61 : vector<10000x128xf32>
    %max3A_63 = arith.constant 0.000000e+00 : f32
    %max3A_64 = vector.broadcast %max3A_63 : f32 to vector<10000x128xf32>
    %max3A_65 = arith.maximumf %add3A_62, %max3A_64 : vector<10000x128xf32>
    %add3A_66 = arith.addf %max3A_65, %get3A_19 : vector<10000x128xf32>
    %swap3A = arith.constant 0 : index
    %swap3A_67 = arith.constant 0 : index
    %swap3A_68 = vector.load %arg8[%swap3A, %swap3A_67] : memref<10000x128xf32, #tpu.memory_space<vmem>>, vector<10000x128xf32>
    tpu.vector_store %arg8[%swap3A, %swap3A_67], %add3A_66 {strides = array<i32>} : memref<10000x128xf32, #tpu.memory_space<vmem>>, vector<10000x128xf32>,
    return
  }
}

module attributes {stable_mosaic.version = 14 : i64} {
  func.func @_tc_layer_body(%arg0: memref<10000x128xf32, #tpu.memory_space<vmem>>, %arg1: memref<2x10240x128xf32, #tpu.memory_space<vmem>>, %arg2: memref<10240x32xf32, #tpu.memory_space<vmem>>, %arg3: memref<128x128xf32, #tpu.memory_space<vmem>>, %arg4: memref<1x128xf32, #tpu.memory_space<vmem>>, %arg5: memref<128x128xf32, #tpu.memory_space<vmem>>, %arg6: memref<1x128xf32, #tpu.memory_space<vmem>>, %arg7: memref<1x128xf32, #tpu.memory_space<vmem>>, %arg8: memref<64x128xf32, #tpu.memory_space<vmem>>, %arg9: memref<1x64xf32, #tpu.memory_space<vmem>>, %arg10: memref<1x64xf32, #tpu.memory_space<vmem>>, %arg11: memref<1x1xf32, #tpu.memory_space<vmem>>, %arg12: memref<10000x1xf32, #tpu.memory_space<vmem>>) attributes {dimension_semantics = [], scalar_prefetch = 0 : i64, scratch_operands = 0 : i64, tpu.core_type = #tpu.core_type<tc>} {
    %get3A = arith.constant 0 : index
    %get3A_0 = arith.constant 0 : index
    %get3A_1 = vector.load %arg2[%get3A, %get3A_0] : memref<10240x32xf32, #tpu.memory_space<vmem>>, vector<10240x32xf32>
    %reduce_sum3A = arith.constant dense<0.000000e+00> : vector<10240xf32>
    %reduce_sum3A_2 = vector.multi_reduction <add>, %get3A_1, %reduce_sum3A [1] : vector<10240x32xf32> to vector<10240xf32>
    %broadcast_in_dim3A = vector.shape_cast %reduce_sum3A_2 : vector<10240xf32> to vector<10240x1xf32>
    %slice3A = vector.extract_strided_slice %broadcast_in_dim3A {offsets = [0, 0], sizes = [10000, 1], strides = [1, 1]} : vector<10240x1xf32> to vector<10000x1xf32>
    %max3A = arith.constant 1.000000e+00 : f32
    %max3A_3 = vector.broadcast %max3A : f32 to vector<10000x1xf32>
    %max3A_4 = arith.maximumf %slice3A, %max3A_3 : vector<10000x1xf32>
    %get3A_5 = arith.constant 0 : index
    %get3A_6 = arith.constant 0 : index
    %get3A_7 = arith.constant 0 : index
    %get3A_8 = vector.load %arg1[%get3A_5, %get3A_6, %get3A_7] : memref<2x10240x128xf32, #tpu.memory_space<vmem>>, vector<1x10240x128xf32>
    %get3A_9 = vector.shape_cast %get3A_8 : vector<1x10240x128xf32> to vector<10240x128xf32>
    %get3A_10 = arith.constant 1 : index
    %get3A_11 = arith.constant 0 : index
    %get3A_12 = arith.constant 0 : index
    %get3A_13 = vector.load %arg1[%get3A_10, %get3A_11, %get3A_12] : memref<2x10240x128xf32, #tpu.memory_space<vmem>>, vector<1x10240x128xf32>
    %get3A_14 = vector.shape_cast %get3A_13 : vector<1x10240x128xf32> to vector<10240x128xf32>
    %add3A = arith.addf %get3A_9, %get3A_14 : vector<10240x128xf32>
    %slice3A_15 = vector.extract_strided_slice %add3A {offsets = [0, 0], sizes = [10000, 128], strides = [1, 1]} : vector<10240x128xf32> to vector<10000x128xf32>
    %div3A = vector.broadcast %max3A_4 : vector<10000x1xf32> to vector<10000x128xf32>
    %div3A_16 = arith.divf %slice3A_15, %div3A : vector<10000x128xf32>
    %get3A_17 = arith.constant 0 : index
    %get3A_18 = arith.constant 0 : index
    %get3A_19 = vector.load %arg0[%get3A_17, %get3A_18] : memref<10000x128xf32, #tpu.memory_space<vmem>>, vector<10000x128xf32>
    %get3A_20 = arith.constant 0 : index
    %get3A_21 = arith.constant 0 : index
    %get3A_22 = vector.load %arg3[%get3A_20, %get3A_21] : memref<128x128xf32, #tpu.memory_space<vmem>>, vector<128x128xf32>
    %dot_general3A = arith.constant dense<0.000000e+00> : vector<10000x128xf32>
    %dot_general3A_23 = tpu.matmul %div3A_16, %get3A_22, %dot_general3A {dimension_numbers = #tpu.dot_dimension_numbers<[1], [1], [0], [0], [0, 0, 1, 0], [], []>, transpose_lhs_hint = false} : vector<10000x128xf32>, vector<128x128xf32>, vector<10000x128xf32> -> vector<10000x128xf32>
    %get3A_24 = arith.constant 0 : index
    %get3A_25 = arith.constant 0 : index
    %get3A_26 = vector.load %arg5[%get3A_24, %get3A_25] : memref<128x128xf32, #tpu.memory_space<vmem>>, vector<128x128xf32>
    %dot_general3A_27 = arith.constant dense<0.000000e+00> : vector<10000x128xf32>
    %dot_general3A_28 = tpu.matmul %get3A_19, %get3A_26, %dot_general3A_27 {dimension_numbers = #tpu.dot_dimension_numbers<[1], [1], [0], [0], [0, 0, 1, 0], [], []>, transpose_lhs_hint = false} : vector<10000x128xf32>, vector<128x128xf32>, vector<10000x128xf32> -> vector<10000x128xf32>
    %add3A_29 = arith.addf %dot_general3A_23, %dot_general3A_28 : vector<10000x128xf32>
    %get3A_30 = arith.constant 0 : index
    %get3A_31 = arith.constant 0 : index
    %get3A_32 = vector.load %arg4[%get3A_30, %get3A_31] : memref<1x128xf32, #tpu.memory_space<vmem>>, vector<1x128xf32>
    %add3A_33 = vector.broadcast %get3A_32 : vector<1x128xf32> to vector<10000x128xf32>
    %add3A_34 = arith.addf %add3A_29, %add3A_33 : vector<10000x128xf32>
    %reduce_sum3A_35 = arith.constant dense<0.000000e+00> : vector<128xf32>
    %reduce_sum3A_36 = vector.multi_reduction <add>, %add3A_34, %reduce_sum3A_35 [0] : vector<10000x128xf32> to vector<128xf32>
    %broadcast_in_dim3A_37 = vector.shape_cast %reduce_sum3A_36 : vector<128xf32> to vector<1x128xf32>
    %div3A_38 = arith.constant 1.000000e+04 : f32
    %div3A_39 = vector.broadcast %div3A_38 : f32 to vector<1x128xf32>
    %div3A_40 = arith.divf %broadcast_in_dim3A_37, %div3A_39 : vector<1x128xf32>
    %sub3A = vector.broadcast %div3A_40 : vector<1x128xf32> to vector<10000x128xf32>
    %sub3A_41 = arith.subf %add3A_34, %sub3A : vector<10000x128xf32>
    %mul3A = arith.mulf %sub3A_41, %sub3A_41 : vector<10000x128xf32>
    %reduce_sum3A_42 = arith.constant dense<0.000000e+00> : vector<128xf32>
    %reduce_sum3A_43 = vector.multi_reduction <add>, %mul3A, %reduce_sum3A_42 [0] : vector<10000x128xf32> to vector<128xf32>
    %broadcast_in_dim3A_44 = vector.shape_cast %reduce_sum3A_43 : vector<128xf32> to vector<1x128xf32>
    %div3A_45 = arith.constant 1.000000e+04 : f32
    %div3A_46 = vector.broadcast %div3A_45 : f32 to vector<1x128xf32>
    %div3A_47 = arith.divf %broadcast_in_dim3A_44, %div3A_46 : vector<1x128xf32>
    %add3A_48 = arith.constant 9.99999974E-6 : f32
    %add3A_49 = vector.broadcast %add3A_48 : f32 to vector<1x128xf32>
    %add3A_50 = arith.addf %div3A_47, %add3A_49 : vector<1x128xf32>
    %rsqrt3A = math.rsqrt %add3A_50 : vector<1x128xf32>
    %mul3A_51 = vector.broadcast %rsqrt3A : vector<1x128xf32> to vector<10000x128xf32>
    %mul3A_52 = arith.mulf %sub3A_41, %mul3A_51 : vector<10000x128xf32>
    %get3A_53 = arith.constant 0 : index
    %get3A_54 = arith.constant 0 : index
    %get3A_55 = vector.load %arg6[%get3A_53, %get3A_54] : memref<1x128xf32, #tpu.memory_space<vmem>>, vector<1x128xf32>
    %mul3A_56 = vector.broadcast %get3A_55 : vector<1x128xf32> to vector<10000x128xf32>
    %mul3A_57 = arith.mulf %mul3A_52, %mul3A_56 : vector<10000x128xf32>
    %get3A_58 = arith.constant 0 : index
    %get3A_59 = arith.constant 0 : index
    %get3A_60 = vector.load %arg7[%get3A_58, %get3A_59] : memref<1x128xf32, #tpu.memory_space<vmem>>, vector<1x128xf32>
    %add3A_61 = vector.broadcast %get3A_60 : vector<1x128xf32> to vector<10000x128xf32>
    %add3A_62 = arith.addf %mul3A_57, %add3A_61 : vector<10000x128xf32>
    %add3A_63 = arith.addf %add3A_62, %get3A_19 : vector<10000x128xf32>
    %get3A_64 = arith.constant 0 : index
    %get3A_65 = arith.constant 0 : index
    %get3A_66 = vector.load %arg8[%get3A_64, %get3A_65] : memref<64x128xf32, #tpu.memory_space<vmem>>, vector<64x128xf32>
    %dot_general3A_67 = arith.constant dense<0.000000e+00> : vector<10000x64xf32>
    %dot_general3A_68 = tpu.matmul %add3A_63, %get3A_66, %dot_general3A_67 {dimension_numbers = #tpu.dot_dimension_numbers<[1], [1], [0], [0], [0, 0, 1, 0], [], []>, transpose_lhs_hint = false} : vector<10000x128xf32>, vector<64x128xf32>, vector<10000x64xf32> -> vector<10000x64xf32>
    %get3A_69 = arith.constant 0 : index
    %get3A_70 = arith.constant 0 : index
    %get3A_71 = vector.load %arg9[%get3A_69, %get3A_70] : memref<1x64xf32, #tpu.memory_space<vmem>>, vector<1x64xf32>
    %add3A_72 = vector.broadcast %get3A_71 : vector<1x64xf32> to vector<10000x64xf32>
    %add3A_73 = arith.addf %dot_general3A_68, %add3A_72 : vector<10000x64xf32>
    %max3A_74 = arith.constant 0.000000e+00 : f32
    %max3A_75 = vector.broadcast %max3A_74 : f32 to vector<10000x64xf32>
    %max3A_76 = arith.maximumf %add3A_73, %max3A_75 : vector<10000x64xf32>
    %get3A_77 = arith.constant 0 : index
    %get3A_78 = arith.constant 0 : index
    %get3A_79 = vector.load %arg10[%get3A_77, %get3A_78] : memref<1x64xf32, #tpu.memory_space<vmem>>, vector<1x64xf32>
    %mul3A_80 = vector.broadcast %get3A_79 : vector<1x64xf32> to vector<10000x64xf32>
    %mul3A_81 = arith.mulf %max3A_76, %mul3A_80 : vector<10000x64xf32>
    %reduce_sum3A_82 = arith.constant dense<0.000000e+00> : vector<10000xf32>
    %reduce_sum3A_83 = vector.multi_reduction <add>, %mul3A_81, %reduce_sum3A_82 [1] : vector<10000x64xf32> to vector<10000xf32>
    %broadcast_in_dim3A_84 = vector.shape_cast %reduce_sum3A_83 : vector<10000xf32> to vector<10000x1xf32>
    %get3A_85 = arith.constant 0 : index
    %get3A_86 = arith.constant 0 : index
    %get3A_87 = vector.load %arg11[%get3A_85, %get3A_86] : memref<1x1xf32, #tpu.memory_space<vmem>>, vector<1x1xf32>
    %add3A_88 = vector.broadcast %get3A_87 : vector<1x1xf32> to vector<10000x1xf32>
    %add3A_89 = arith.addf %broadcast_in_dim3A_84, %add3A_88 : vector<10000x1xf32>
    %logistic3A = arith.negf %add3A_89 : vector<10000x1xf32>
    %logistic3A_90 = math.exp %logistic3A : vector<10000x1xf32>
    %logistic3A_91 = arith.constant 1.000000e+00 : f32
    %logistic3A_92 = vector.broadcast %logistic3A_91 : f32 to vector<10000x1xf32>
    %logistic3A_93 = arith.addf %logistic3A_92, %logistic3A_90 : vector<10000x1xf32>
    %logistic3A_94 = arith.divf %logistic3A_92, %logistic3A_93 : vector<10000x1xf32>
    %swap3A = arith.constant 0 : index
    %swap3A_95 = arith.constant 0 : index
    %swap3A_96 = vector.load %arg12[%swap3A, %swap3A_95] : memref<10000x1xf32, #tpu.memory_space<vmem>>, vector<10000x1xf32>
    tpu.vector_store %arg12[%swap3A, %swap3A_95], %logistic3A_94 {strides = array<i32>} : memref<10000x1xf32, #tpu.memory_space<vmem>>, vector<10000x1xf32>,
    return
  }
}

</mosaic_0001>

<sc_bundles>
// kernel: kernel.12.cloned.1.call-start
scs
__scs_entry_jumppad:
0x0: {  	(pc) =	sbr.rel $0x88, $3  }
0x1: {  	(tag) =	ssettag $0x0;
	lr =	simm.s32 $0x1  }
0x2: {  	[smem:$0x3F8C] =	sst lr;
	_ =	strace $0xD0000000  }
0x3: {  	_ = 	snop  }
0x4: {  	_ = 	snop  }
0x5: {  	_ = 	snop  }
0x6: {  	_ = 	snop  }
0x7: {  	_ = 	snop  }
__scs_overlays_trampoline_lowered:
0x8: {  	[smem:$0x3F9B] =	sst s0  }
0x9: {  	[smem:$0x3F9C] =	sst s1  }
0xa: {  	[smem:$0x3F9D] =	sst s2  }
0xb: {  	[smem:$0x3F9E] =	sst s3  }
0xc: {  	[smem:$0x3F9F] =	sst s4  }
0xd: {  	[smem:$0x3FA0] =	sst s5  }
0xe: {  	[smem:$0x3FA1] =	sst s6  }
0xf: {  	[smem:$0x3FA2] =	sst s7  }
0x10: {  	[smem:$0x3FA3] =	sst s8  }
0x11: {  	[smem:$0x3FA4] =	sst s9;
	s0 =	simm.s32 @!p0 $0x0  }
0x12: {  	s1 =	sld [smem:$0x3F8A];
	s0 =	simm.s32 @p0 $0x1  }
0x13: {  	[smem:$0x3FA5] =	sst s0;
	s0 =	simm.s32 @!p1 $0x0  }
0x14: {  	s2 =	sld [smem:$0x3F89];
	s0 =	simm.s32 @p1 $0x1  }
0x15: {  	[smem:$0x3FA6] =	sst s0;
	s0 =	simm.s32 @!p2 $0x0  }
0x16: {  	s3 =	sld [smem:$0x3FDB];
	s0 =	simm.s32 @p2 $0x1  }
0x17: {  	s4 =	simm.s32 $0x1BF5;
	[smem:$0x3FA8] =	sst s0  }
0x18: {  	s0 =	sld [smem:$0x3F8B];
	_ =	swait.ge [sflag:s4], $0x0  }
0x19: {  	s7 =	sld [smem:$0x3F8C]  }
0x1a: {  	s8 =	sadd.s32 $0xFFFFE003, lr  }
0x1b: {  	s9 =	sadd.s32 $0xFFFFFEF7, lr;
	s5 =	simm.s32 $0xFFFFFFFF;
	p2 =	slt.u32 s8, $0xFFFFF086  }
0x1c: {  	p1 =	slt.u32 s9, $0xF7A;
	s5 =	simm.s32 @!p2 $0x0  }
0x1d: {  	s5 =	simm.s32 @p1 $0x1;
	p0 =	seq.s32 s7, s2  }
0x1e: {  	s7 =	smul.u32 @!p0 $0xF7A, s2;
	p2 =	seq.s32 @!p0 s5, $0x0  }
0x1f: {  	s9 =	smul.u32 $0xF7A, s1;
	s8 =	simm.s32 @!p0 $0x1BF5;
	p2 =	por !p2, p0  }
0x20: {  	[sflag:s8] =	ssyncset.s32 @!p0 $0xFFFFF086;
	s6 =	sadd.s32 @!p0 s3, s7;
	s7 =	simm.s32 @!p0 $0x108  }
0x21: {  	s3 =	sadd.s32 s3, s9;
	s6 =	sadd.s32 @!p0 $0x88, s6;
	s7 =	simm.s32 @p2 $0x1082  }
0x22: {  	[simem:s7], [sflag:s8] =	dma.local @!p0 [hbm:s6], $0xF7A  }
0x23: {  	s9 =	sor.u32 $0xD0000000, s2;
	s6 =	simm.s32 $0x108;
	_ =	swait.ge @!p0 [sflag:s8], $0x0  }
0x24: {  	s3 =	sadd.s32 $0x88, s3;
	s6 =	simm.s32 @!p1 $0x1082;
	[sflag:s4] =	ssyncset.s32 $0xFFFFF086  }
0x25: {  	[simem:s6], [sflag:s4] =	dma.local [hbm:s3], $0xF7A  }
0x26: {  	[smem:$0x3F8C] =	sst s1;
	(tag) =	ssettag s2;
	_ =	strace s9  }
0x27: {  	s1 =	sld [smem:$0x3F9C]  }
0x28: {  	s2 =	sld [smem:$0x3F9D]  }
0x29: {  	s4 =	sld [smem:$0x3F9F]  }
0x2a: {  	p0 =	seq.s32 s5, $0x0;
	s5 =	sld [smem:$0x3FA0]  }
0x2b: {  	s6 =	sld [smem:$0x3FA1]  }
0x2c: {  	s7 =	sld [smem:$0x3FA2]  }
0x2d: {  	s3 =	simm.s32 $0x108;
	s8 =	sld [smem:$0x3FA3]  }
0x2e: {  	s3 =	simm.s32 @!p0 $0x1082;
	s9 =	sld [smem:$0x3FA4]  }
0x2f: {  	lr =	sadd.s32 s0, s3;
	s0 =	sld [smem:$0x3F9B]  }
0x30: {  	s3 =	sld [smem:$0x3F9E]  }
0x31: {  	[smem:$0x3FA7] =	sst s10  }
0x32: {  	s10 =	sld [smem:$0x3FA5];
	_ =	sdelay $0x3  }
0x33: {  	p0 =	seq.s32 s10, $0x1;
	s10 =	sld [smem:$0x3FA7];
	_ =	sdelay $0x3  }
0x34: {  	[smem:$0x3FA7] =	sst s10  }
0x35: {  	s10 =	sld [smem:$0x3FA6];
	_ =	sdelay $0x3  }
0x36: {  	p1 =	seq.s32 s10, $0x1;
	s10 =	sld [smem:$0x3FA7];
	_ =	sdelay $0x3  }
0x37: {  	[smem:$0x3FA7] =	sst s10  }
0x38: {  	s10 =	sld [smem:$0x3FA8]  }
0x39: {  	_ = 	snop;
	(pc) =	sbr.ind lr, $3  }
0x3a: {  	_ = 	snop  }
0x3b: {  	_ = 	snop  }
0x3c: {  	p2 =	seq.s32 s10, $0x1;
	s10 =	sld [smem:$0x3FA7]  }
0x3d: {  	_ =	shalt  }
0x3e: {  	_ =	shalt  }
0x3f: {  	_ =	shalt  }
0x40: {  	_ =	shalt  }
0x41: {  	_ =	shalt  }
0x42: {  	_ =	shalt  }
0x43: {  	_ =	shalt  }
0x44: {  	_ =	shalt  }
0x45: {  	_ =	shalt  }
0x46: {  	_ =	shalt  }
0x47: {  	_ =	shalt  }
0x48: {  	_ =	shalt  }
0x49: {  	_ =	shalt  }
0x4a: {  	_ =	shalt  }
0x4b: {  	_ =	shalt  }
0x4c: {  	_ =	shalt  }
0x4d: {  	_ =	shalt  }
0x4e: {  	_ =	shalt  }
0x4f: {  	_ =	shalt  }
0x50: {  	_ =	shalt  }
0x51: {  	_ =	shalt  }
0x52: {  	_ =	shalt  }
0x53: {  	_ =	shalt  }
0x54: {  	_ =	shalt  }
0x55: {  	_ =	shalt  }
0x56: {  	_ =	shalt  }
0x57: {  	_ =	shalt  }
0x58: {  	_ =	shalt  }
0x59: {  	_ =	shalt  }
0x5a: {  	_ =	shalt  }
0x5b: {  	_ =	shalt  }
0x5c: {  	_ =	shalt  }
0x5d: {  	_ =	shalt  }
0x5e: {  	_ =	shalt  }
0x5f: {  	_ =	shalt  }
0x60: {  	_ =	shalt  }
0x61: {  	_ =	shalt  }
0x62: {  	_ =	shalt  }
0x63: {  	_ =	shalt  }
0x64: {  	_ =	shalt  }
0x65: {  	_ =	shalt  }
0x66: {  	_ =	shalt  }
0x67: {  	_ =	shalt  }
0x68: {  	_ =	shalt  }
0x69: {  	_ =	shalt  }
0x6a: {  	_ =	shalt  }
0x6b: {  	_ =	shalt  }
0x6c: {  	_ =	shalt  }
0x6d: {  	_ =	shalt  }
0x6e: {  	_ =	shalt  }
0x6f: {  	_ =	shalt  }
0x70: {  	_ =	shalt  }
0x71: {  	_ =	shalt  }
0x72: {  	_ =	shalt  }
0x73: {  	_ =	shalt  }
0x74: {  	_ =	shalt  }
0x75: {  	_ =	shalt  }
0x76: {  	_ =	shalt  }
0x77: {  	_ =	shalt  }
0x78: {  	_ =	shalt  }
0x79: {  	_ =	shalt  }
0x7a: {  	_ =	shalt  }
0x7b: {  	_ =	shalt  }
0x7c: {  	_ =	shalt  }
0x7d: {  	_ =	shalt  }
0x7e: {  	_ =	shalt  }
0x7f: {  	_ =	shalt  }
0x80: {  	_ =	shalt  }
0x81: {  	_ =	shalt  }
0x82: {  	_ =	shalt  }
0x83: {  	_ =	shalt  }
0x84: {  	_ =	shalt  }
0x85: {  	_ =	shalt  }
0x86: {  	_ =	shalt  }
0x87: {  	_ =	shalt  }
.Lfunc_end0:
.L_simem_size_0:
called_computation.1_lowered:
.L_overlay_start_0:
0x88: {  	s2 =	sld [smem:$0x3FD9]  }
0x89: {  	s3 =	sld [smem:$0x3FFE];
	_ =	sdelay $0x1  }
0x8a: {  	s1 =	srdreg.scid  }
0x8b: {  	s0 =	sand.u32 $0x1, s1  }
0x8c: {  	s17 =	sshll.u32 s0, $0xA;
	s2 =	sadd.s32 s3, s2  }
0x8d: {  	s2 =	sadd.s32 s2, s17  }
0x8e: {  	[smem:$0x3FB3] =	sst s2  }
0x8f: {  	_ = 	snop  }
0x90: {  	s18 =	sld [smem:$0x3FC9];
	(tm) =	ssettm $0x1  }
0x91: {  	s19 =	sld [smem:$0x3FFB];
	_ =	sdelay $0x3  }
0x92: {  	_ =	strace s19  }
0x93: {  	s2 =	sld [smem:$0x3FFC];
	_ =	sdelay $0x3  }
0x94: {  	_ =	strace s2  }
0x95: {  	s2 =	sld [smem:$0x3FFD];
	_ =	sdelay $0x3  }
0x96: {  	_ =	strace s2  }
0x97: {  	_ =	strace $0x8FFFFFFF  }
0x98: {  	s20 =	sld [smem:$0x3FDB];
	_ =	sdelay $0x1  }
0x99: {  	s4 =	simm.s32 $_scs_section_size  }
0x9a: {  	s5 =	simm.s32 $_size__tile_overlayer_lowered;
	s6 =	simm.s32 $_tile_overlayer_lowered  }
0x9b: {  	s7 =	simm.s32 $0x1BFF;
	s21 =	sshll.u32 s6, $0x1;
	s4 =	sadd.s32 s4, s20  }
0x9c: {  	s22 =	simm.s32 $0x0;
	s5 =	sshll.u32 s5, $0x1;
	s6 =	sadd.s32 s21, s4  }
0x9d: {  	[timem:s22], [sflag:s7] =	dma.local [hbm:s6], s5  }
0x9e: {  	_ =	swait.ge [sflag:s7], s5  }
0x9f: {  	s5 =	ssub.s32 $0x0, s5;
	[sflag:s7] =	ssyncset.done $0x0  }
0xa0: {  	[sflag:s7] =	ssyncadd.s32 s5;
	_ =	sdelay $0x1  }
0xa1: {  	s23 =	simm.s32 $0x1B8B  }
0xa2: {  	_ =	swait.ge [sflag:s23], $0x1  }
0xa3: {  	[sflag:s23] =	ssyncset.done $0x0  }
0xa4: {  	[sflag:s23] =	ssyncadd.s32 $0xFFFFFFFF  }
0xa5: {  	s5 =	sld [smem:$0x0]  }
0xa6: {  	s6 =	sand.u32 $0xFFFFFFFE, s1  }
0xa7: {  	p0 =	sne.s32 s1, s6  }
0xa8: {  	s6 =	sshll.u32 @p0 s6, $0xE  }
0xa9: {  	s6 =	sadd.s32 @p0 $0x11B8D, s6;
	s7 =	sshll.u32 @p0 s5, $0x11  }
0xaa: {  	s6 =	sor.u32 @p0 s7, s6  }
0xab: {  	[sflag:s6] =	ssyncadd.remote.s32 @p0 $0x1;
	_ =	sdelay $0x1  }
0xac: {  	s6 =	simm.s32 @p0 $0x1B8D  }
0xad: {  	_ =	swait.eq @p0 [sflag:s6], $0x1  }
0xae: {  	[sflag:s6] =	ssyncadd.s32 @p0 $0xFFFFFFFF  }
0xaf: {  	s7 =	sshll.u32 @!p0 s1, $0xE  }
0xb0: {  	s7 =	sor.u32 @!p0 $0x4000, s7;
	s6 =	simm.s32 @!p0 $0x1B8D  }
0xb1: {  	s5 =	sshll.u32 @!p0 s5, $0x11;
	s7 =	sadd.s32 @!p0 $0x11B8D, s7;
	_ =	swait.eq @!p0 [sflag:s6], $0x1  }
0xb2: {  	s5 =	sor.u32 @!p0 s5, s7;
	[sflag:s6] =	ssyncadd.s32 @!p0 $0xFFFFFFFF  }
0xb3: {  	s25 =	simm.s32 $0x1B8E;
	s24 =	sld [smem:$0x3FFE];
	[sflag:s5] =	ssyncadd.remote.s32 @!p0 $0x1  }
0xb4: {  	s26 =	simm.s32 $execute0_lowered;
	[smem:$0x3FD2] =	sst s25  }
0xb5: {  	s6 =	sshll.u32 s26, $0x1;
	_ =	strace $0x80000049;
	[dreg:$0x1] =	wrdreg $0xFFFFFFFF  }
0xb6: {  	s28 =	simm.s32 $_size_execute0_lowered;
	s4 =	sadd.s32 s4, s6;
	[dreg:$0x0] =	wrdreg $0x0  }
0xb7: {  	s6 =	sshll.u32 s28, $0x1;
	[dreg:$0x2] =	wrdreg s4  }
0xb8: {  	[dreg:$0x3] =	wrdreg s6  }
0xb9: {  	[dreg:$0x4] =	wrdreg $0xC0  }
0xba: {  	_ =	task [dreg:s22], $0x5FFFF  }
0xbb: {  	[dreg:$0x1] =	wrdreg $0xFFFFFFFF  }
0xbc: {  	[dreg:$0x0] =	wrdreg $0x60  }
0xbd: {  	[dreg:$0x2] =	wrdreg s18  }
0xbe: {  	[dreg:$0x3] =	wrdreg s24  }
0xbf: {  	[dreg:$0x4] =	wrdreg $0xC0000  }
0xc0: {  	[dreg:$0x5] =	wrdreg $0xA  }
0xc1: {  	_ =	task.clear_ibuf [dreg:s22], $0x6FFFF;
	_ =	strace $0x90000049  }
0xc2: {  	s29 =	simm.s32 $0xA;
	_ =	strace $0x8000004B  }
0xc3: {  	_ =	swait.ge [sflag:s29], $0x1  }
0xc4: {  	[sflag:s29] =	ssyncadd.s32 $0xFFFFFFFF  }
0xc5: {  	_ =	strace $0x9000004B  }
0xc6: {  	_ =	sfence  }
0xc7: {  	s30 =	sld [smem:$0x0];
	_ =	sdelay $0x2  }
0xc8: {  	s31 =	sshll.u32 s1, $0xD;
	s1 =	sshrl.u32 s1, $0x2  }
0xc9: {  	s4 =	sand.u32 $0x4000, s31;
	s1 =	sadd.s32 s1, s30  }
0xca: {  	s0 =	sor.u32 s4, s0;
	s1 =	sshll.u32 s1, $0x11  }
0xcb: {  	s0 =	sor.u32 s1, s0  }
0xcc: {  	s0 =	sadd.s32 $0x8F2B, s0  }
0xcd: {  	[sflag:s0] =	ssyncadd.remote.s32 $0x1  }
0xce: {  	_ =	sfence.sel $0xFFFF  }
0xcf: {  	[dreg:$0x0] =	wrdreg $0xFFFFFFFF;
	(pc) =	sbr.abs _section_cstart, $3  }
0xd0: {  	[dreg:$0x1] =	wrdreg $0xFFFFFFFF  }
0xd1: {  	_ =	task.clear_ibuf [dreg:s22], $0x2FFFF;
	_ =	strace $0x9FFFFFFF  }
0xd2: {  	(tm) =	ssettm $0x7FFFFFFF  }
0xd3: {  	_ =	shalt  }
tec
execute0_lowered:
.L_overlay_start_1:
0x0: {  	(tag) =	ssettag $0x1  }
0x1: {  	s1 =	rddreg [dreg:$0x0]  }
0x2: {  	s0 =	srdreg.scid;
	s6 =	rddreg [dreg:$0x1]  }
0x3: {  	s3 =	rddreg [dreg:$0x2];
	s4 =	simm.s32 $0x0;
	s14 =	simm.s32 $0x40  }
0x4: {  	s15 =	simm.s32 $0xA000;
	s16 =	simm.s32 $0x1;
	s5 =	sand.u32 $0x1, s0  }
0x5: {  	s17 =	simm.s32 $0x0;
	s0 =	stileid.u32;
	s8 =	smul.u32 $0x140000, s5  }
0x6: {  	[smem:$0x7FF] =	sst s4;
	s2 =	sshll.u32 s5, $0x4;
	s9 =	smul.u32 $0x14000, s0  }
0x7: {  	s30 =	ssub.s32 $0x2, s5;
	s11 =	smul.u32 $0x50000, s0;
	s5 =	sadd.s32 $0x35C00, s6  }
0x8: {  	s12 =	sshll.u32 s0, $0x6;
	s2 =	sor.u32 s0, s2;
	s10 =	sshrl.u32 s30, $0x1  }
0x9: {  	s12 =	sor.u32 $0x1C02, s12;
	s7 =	smul.u32 $0xA00, s2;
	s2 =	rddreg [dreg:$0x3]  }
0xa: {  	_ =	strace $0x8000004A;
	s8 =	sadd.s32 s9, s8;
	s9 =	ssub.s32 s30, s10  }
0xb: {  	s31 =	sshrl.u32 s11, $0x2;
	s10 =	simm.s32 $0x2;
	s11 =	simm.s32 $0x5000  }
0xc: {  	s8 =	sshrl.u32 s8, $0x3;
	s13 =	sadd.s32 s31, s3;
	s9 =	smax.u32 s9, $0x1  }
0xd: {  	s7 =	sadd.s32 s7, s6;
	s8 =	sadd.s32 s8, s6;
	s13 =	sshrl.u32 s13, $0x3  }
0xe: {  	s6 =	sadd.s32 $0x21C00, s7;
	s7 =	sadd.s32 $0x3C00, s7;
	s8 =	sadd.s32 $0x38400, s8  }
.LBB2_1:
0xf: {  	[tilespmem:s4], [sflag:$0x2] =	stream.linear.gather [hbm4b:s6+s4], $0x4E80, $0x38;
	v63 =	vld [tilespmem:$0x0]  }
0x10: {  	_ =	swait.ge [sflag:s10], $0x4E80  }
0x11: {  	[sflag:s10] =	ssyncset.done $0x0  }
0x12: {  	[sflag:s10] =	ssyncadd.s32 $0xFFFFB180  }
0x13: {  	[tilespmem:s11], [sflag:$0x2] =	stream.linear.gather [hbm4b:s7+s4], $0x4E80, $0x38;
	v63 =	vld [tilespmem:$0x0]  }
0x14: {  	_ =	swait.ge [sflag:s10], $0x4E80  }
0x15: {  	[sflag:s10] =	ssyncset.done $0x0  }
0x16: {  	[sflag:s10] =	ssyncadd.s32 $0xFFFFB180  }
0x17: {  	[spmem:s13], [sflag:s12] =	dma.local [hbm:s5], $0x2800  }
0x18: {  	_ =	swait.ge [sflag:s10], $0x2800  }
0x19: {  	[sflag:s10] =	ssyncset.done $0x0  }
0x1a: {  	[sflag:s10] =	ssyncadd.s32 $0xFFFFD800  }
0x1b: {  	s18 =	simm.s32 $0x0;
	[bflag:$0x0] =	sbarrier.arrive $0xFFFF  }
0x1c: {  	[tilespmem:s15], [sflag:$0x1] =	stream.indirect.gather [hbm4b:s1+s14], $0x80, s18, s14, $0xb8;
	v63 =	vld [tilespmem:$0x0]  }
0x1d: {  	_ =	swait.ge [sflag:s16], $0x2000  }
0x1e: {  	[sflag:s16] =	ssyncset.done $0x0  }
0x1f: {  	s31 =	simm.s32 $0x5000;
	[sflag:s16] =	ssyncadd.s32 $0xFFFFE000  }
0x20: {  	[spmem:s3] =	stream.indirect.scatter.add.f32 [tilespmem:s15], [sflag:$0x2], $0x80, s31, s14, $0xb8;
	v63 =	vld [tilespmem:$0x0]  }
0x21: {  	_ =	swait.ge [sflag:s10], $0x2000  }
0x22: {  	s19 =	simm.s32 $0x400;
	s18 =	simm.s32 $0x200;
	[sflag:s10] =	ssyncset.done $0x0  }
.LBB2_2:
0x23: {  	s20 =	sshra.s32 s18, $0x2  }
0x24: {  	[sflag:s10] =	ssyncadd.s32 $0xFFFFE000;
	s18 =	smov.u32 s19;
	s21 =	sadd.s32 $0x200, s19  }
0x25: {  	[tilespmem:s15], [sflag:$0x1] =	stream.indirect.gather [hbm4b:s1+s14], $0x80, s20, s14, $0xb8;
	v63 =	vld [tilespmem:$0x0]  }
0x26: {  	p0 =	sne.s32 s19, $0x13800;
	_ =	swait.ge [sflag:s16], $0x2000  }
.Ltmp0:
0x27: {  	[sflag:s16] =	ssyncset.done $0x0;
	(pc) =	sbr.rel @p0 .LBB2_2-.Ltmp0, $4  }
0x28: {  	s19 =	sadd.s32 $0x5000, s20;
	[sflag:s16] =	ssyncadd.s32 $0xFFFFE000  }
0x29: {  	[spmem:s3] =	stream.indirect.scatter.add.f32 [tilespmem:s15], [sflag:$0x2], $0x80, s19, s14, $0xb8;
	v63 =	vld [tilespmem:$0x0]  }
0x2a: {  	_ =	swait.ge [sflag:s10], $0x2000  }
0x2b: {  	s19 =	smov.u32 s21;
	[sflag:s10] =	ssyncset.done $0x0  }
0x2c: {  	s18 =	sshra.s32 s18, $0x2;
	[sflag:s10] =	ssyncadd.s32 $0xFFFFE000  }
0x2d: {  	[tilespmem:s15], [sflag:$0x1] =	stream.indirect.gather [hbm4b:s1+s14], $0x80, s18, s14, $0xb8;
	v63 =	vld [tilespmem:$0x0]  }
0x2e: {  	_ =	swait.ge [sflag:s16], $0x2000  }
0x2f: {  	[sflag:s16] =	ssyncset.done $0x0  }
0x30: {  	s18 =	sadd.s32 $0x5000, s18;
	[sflag:s16] =	ssyncadd.s32 $0xFFFFE000  }
0x31: {  	[spmem:s3] =	stream.indirect.scatter.add.f32 [tilespmem:s15], [sflag:$0x2], $0x80, s18, s14, $0xb8;
	v63 =	vld [tilespmem:$0x0]  }
0x32: {  	_ =	swait.ge [sflag:s10], $0x2000  }
0x33: {  	s17 =	sadd.s32 $0x1, s17;
	[sflag:s10] =	ssyncset.done $0x0  }
0x34: {  	p0 =	sne.s32 s17, s9;
	[sflag:s10] =	ssyncadd.s32 $0xFFFFE000  }
.Ltmp1:
0x35: {  	[bflag:$0x0] =	sbarrier.arrive $0xFFFF;
	(pc) =	sbr.rel @p0 .LBB2_1-.Ltmp1, $4  }
0x36: {  	[hbm:s8], [sflag:s12] =	dma.local [spmem:s13], $0x2800  }
0x37: {  	_ =	swait.ge [sflag:s10], $0x2800  }
0x38: {  	[sflag:s10] =	ssyncset.done $0x0  }
0x39: {  	[sflag:s10] =	ssyncadd.s32 $0xFFFFD800  }
0x3a: {  	_ =	sfence.sel $0x180000  }
0x3b: {  	[bflag:$0x0] =	sbarrier.arrive $0xFFFF  }
0x3c: {  	p0 =	sne.s32 s0, $0x0;
	_ =	strace $0x9000004A  }
0x3d: {  	s0 =	sadd.s32 @!p0 $0x100000, s2;
	[bflag:$0x2] =	sbarrier.arrive $0xFFFF  }
0x3e: {  	[sflag:s0] =	ssyncadd.tile.s32 @!p0 $0x1;
	_ =	shalt  }
.Lfunc_end2:
_tile_overlayer_lowered:
.L_overlay_start_2:
0x3f: {  	(tag) =	ssettag $0x2  }
0x40: {  	s0 =	rddreg [dreg:$0x0];
	s2 =	stileid.u32  }
0x41: {  	s1 =	rddreg [dreg:$0x1];
	p0 =	sne.s32 s2, $0x0  }
0x42: {  	s3 =	rddreg [dreg:$0x2];
	[bflag:$0x3] =	sbarrier.arrive $0xFFFF;
	s2 =	simm.s32 @!p0 $0x1C02  }
0x43: {  	[timem:s3], [sflag:s2] =	dma.local @!p0 [hbm:s0], s1  }
0x44: {  	s0 =	simm.s32 @!p0 $0x2  }
0x45: {  	_ =	swait.ge @!p0 [sflag:s0], s1  }
0x46: {  	s1 =	ssub.s32 @!p0 $0x0, s1;
	[sflag:s0] =	ssyncset.done @!p0 $0x0  }
0x47: {  	[sflag:s0] =	ssyncadd.s32 @!p0 s1  }
0x48: {  	[bflag:$0x3] =	sbarrier.arrive $0xFFFF  }
0x49: {  	_ =	shalt  }

// kernel: kernel.15.cloned.1.call-start
scs
__scs_entry_jumppad:
0x0: {  	(pc) =	sbr.rel $0x88, $3  }
0x1: {  	(tag) =	ssettag $0x0;
	lr =	simm.s32 $0x1  }
0x2: {  	[smem:$0x3F8C] =	sst lr;
	_ =	strace $0xD0000000  }
0x3: {  	_ = 	snop  }
0x4: {  	_ = 	snop  }
0x5: {  	_ = 	snop  }
0x6: {  	_ = 	snop  }
0x7: {  	_ = 	snop  }
__scs_overlays_trampoline_lowered:
0x8: {  	[smem:$0x3F9B] =	sst s0  }
0x9: {  	[smem:$0x3F9C] =	sst s1  }
0xa: {  	[smem:$0x3F9D] =	sst s2  }
0xb: {  	[smem:$0x3F9E] =	sst s3  }
0xc: {  	[smem:$0x3F9F] =	sst s4  }
0xd: {  	[smem:$0x3FA0] =	sst s5  }
0xe: {  	[smem:$0x3FA1] =	sst s6  }
0xf: {  	[smem:$0x3FA2] =	sst s7  }
0x10: {  	[smem:$0x3FA3] =	sst s8  }
0x11: {  	[smem:$0x3FA4] =	sst s9;
	s0 =	simm.s32 @!p0 $0x0  }
0x12: {  	s1 =	sld [smem:$0x3F8A];
	s0 =	simm.s32 @p0 $0x1  }
0x13: {  	[smem:$0x3FA5] =	sst s0;
	s0 =	simm.s32 @!p1 $0x0  }
0x14: {  	s2 =	sld [smem:$0x3F89];
	s0 =	simm.s32 @p1 $0x1  }
0x15: {  	[smem:$0x3FA6] =	sst s0;
	s0 =	simm.s32 @!p2 $0x0  }
0x16: {  	s3 =	sld [smem:$0x3FDB];
	s0 =	simm.s32 @p2 $0x1  }
0x17: {  	s4 =	simm.s32 $0x1BF5;
	[smem:$0x3FA8] =	sst s0  }
0x18: {  	s0 =	sld [smem:$0x3F8B];
	_ =	swait.ge [sflag:s4], $0x0  }
0x19: {  	s7 =	sld [smem:$0x3F8C]  }
0x1a: {  	s8 =	sadd.s32 $0xFFFFE003, lr  }
0x1b: {  	s9 =	sadd.s32 $0xFFFFFEF7, lr;
	s5 =	simm.s32 $0xFFFFFFFF;
	p2 =	slt.u32 s8, $0xFFFFF086  }
0x1c: {  	p1 =	slt.u32 s9, $0xF7A;
	s5 =	simm.s32 @!p2 $0x0  }
0x1d: {  	s5 =	simm.s32 @p1 $0x1;
	p0 =	seq.s32 s7, s2  }
0x1e: {  	s7 =	smul.u32 @!p0 $0xF7A, s2;
	p2 =	seq.s32 @!p0 s5, $0x0  }
0x1f: {  	s9 =	smul.u32 $0xF7A, s1;
	s8 =	simm.s32 @!p0 $0x1BF5;
	p2 =	por !p2, p0  }
0x20: {  	[sflag:s8] =	ssyncset.s32 @!p0 $0xFFFFF086;
	s6 =	sadd.s32 @!p0 s3, s7;
	s7 =	simm.s32 @!p0 $0x108  }
0x21: {  	s3 =	sadd.s32 s3, s9;
	s6 =	sadd.s32 @!p0 $0x88, s6;
	s7 =	simm.s32 @p2 $0x1082  }
0x22: {  	[simem:s7], [sflag:s8] =	dma.local @!p0 [hbm:s6], $0xF7A  }
0x23: {  	s9 =	sor.u32 $0xD0000000, s2;
	s6 =	simm.s32 $0x108;
	_ =	swait.ge @!p0 [sflag:s8], $0x0  }
0x24: {  	s3 =	sadd.s32 $0x88, s3;
	s6 =	simm.s32 @!p1 $0x1082;
	[sflag:s4] =	ssyncset.s32 $0xFFFFF086  }
0x25: {  	[simem:s6], [sflag:s4] =	dma.local [hbm:s3], $0xF7A  }
0x26: {  	[smem:$0x3F8C] =	sst s1;
	(tag) =	ssettag s2;
	_ =	strace s9  }
0x27: {  	s1 =	sld [smem:$0x3F9C]  }
0x28: {  	s2 =	sld [smem:$0x3F9D]  }
0x29: {  	s4 =	sld [smem:$0x3F9F]  }
0x2a: {  	p0 =	seq.s32 s5, $0x0;
	s5 =	sld [smem:$0x3FA0]  }
0x2b: {  	s6 =	sld [smem:$0x3FA1]  }
0x2c: {  	s7 =	sld [smem:$0x3FA2]  }
0x2d: {  	s3 =	simm.s32 $0x108;
	s8 =	sld [smem:$0x3FA3]  }
0x2e: {  	s3 =	simm.s32 @!p0 $0x1082;
	s9 =	sld [smem:$0x3FA4]  }
0x2f: {  	lr =	sadd.s32 s0, s3;
	s0 =	sld [smem:$0x3F9B]  }
0x30: {  	s3 =	sld [smem:$0x3F9E]  }
0x31: {  	[smem:$0x3FA7] =	sst s10  }
0x32: {  	s10 =	sld [smem:$0x3FA5];
	_ =	sdelay $0x3  }
0x33: {  	p0 =	seq.s32 s10, $0x1;
	s10 =	sld [smem:$0x3FA7];
	_ =	sdelay $0x3  }
0x34: {  	[smem:$0x3FA7] =	sst s10  }
0x35: {  	s10 =	sld [smem:$0x3FA6];
	_ =	sdelay $0x3  }
0x36: {  	p1 =	seq.s32 s10, $0x1;
	s10 =	sld [smem:$0x3FA7];
	_ =	sdelay $0x3  }
0x37: {  	[smem:$0x3FA7] =	sst s10  }
0x38: {  	s10 =	sld [smem:$0x3FA8]  }
0x39: {  	_ = 	snop;
	(pc) =	sbr.ind lr, $3  }
0x3a: {  	_ = 	snop  }
0x3b: {  	_ = 	snop  }
0x3c: {  	p2 =	seq.s32 s10, $0x1;
	s10 =	sld [smem:$0x3FA7]  }
0x3d: {  	_ =	shalt  }
0x3e: {  	_ =	shalt  }
0x3f: {  	_ =	shalt  }
0x40: {  	_ =	shalt  }
0x41: {  	_ =	shalt  }
0x42: {  	_ =	shalt  }
0x43: {  	_ =	shalt  }
0x44: {  	_ =	shalt  }
0x45: {  	_ =	shalt  }
0x46: {  	_ =	shalt  }
0x47: {  	_ =	shalt  }
0x48: {  	_ =	shalt  }
0x49: {  	_ =	shalt  }
0x4a: {  	_ =	shalt  }
0x4b: {  	_ =	shalt  }
0x4c: {  	_ =	shalt  }
0x4d: {  	_ =	shalt  }
0x4e: {  	_ =	shalt  }
0x4f: {  	_ =	shalt  }
0x50: {  	_ =	shalt  }
0x51: {  	_ =	shalt  }
0x52: {  	_ =	shalt  }
0x53: {  	_ =	shalt  }
0x54: {  	_ =	shalt  }
0x55: {  	_ =	shalt  }
0x56: {  	_ =	shalt  }
0x57: {  	_ =	shalt  }
0x58: {  	_ =	shalt  }
0x59: {  	_ =	shalt  }
0x5a: {  	_ =	shalt  }
0x5b: {  	_ =	shalt  }
0x5c: {  	_ =	shalt  }
0x5d: {  	_ =	shalt  }
0x5e: {  	_ =	shalt  }
0x5f: {  	_ =	shalt  }
0x60: {  	_ =	shalt  }
0x61: {  	_ =	shalt  }
0x62: {  	_ =	shalt  }
0x63: {  	_ =	shalt  }
0x64: {  	_ =	shalt  }
0x65: {  	_ =	shalt  }
0x66: {  	_ =	shalt  }
0x67: {  	_ =	shalt  }
0x68: {  	_ =	shalt  }
0x69: {  	_ =	shalt  }
0x6a: {  	_ =	shalt  }
0x6b: {  	_ =	shalt  }
0x6c: {  	_ =	shalt  }
0x6d: {  	_ =	shalt  }
0x6e: {  	_ =	shalt  }
0x6f: {  	_ =	shalt  }
0x70: {  	_ =	shalt  }
0x71: {  	_ =	shalt  }
0x72: {  	_ =	shalt  }
0x73: {  	_ =	shalt  }
0x74: {  	_ =	shalt  }
0x75: {  	_ =	shalt  }
0x76: {  	_ =	shalt  }
0x77: {  	_ =	shalt  }
0x78: {  	_ =	shalt  }
0x79: {  	_ =	shalt  }
0x7a: {  	_ =	shalt  }
0x7b: {  	_ =	shalt  }
0x7c: {  	_ =	shalt  }
0x7d: {  	_ =	shalt  }
0x7e: {  	_ =	shalt  }
0x7f: {  	_ =	shalt  }
0x80: {  	_ =	shalt  }
0x81: {  	_ =	shalt  }
0x82: {  	_ =	shalt  }
0x83: {  	_ =	shalt  }
0x84: {  	_ =	shalt  }
0x85: {  	_ =	shalt  }
0x86: {  	_ =	shalt  }
0x87: {  	_ =	shalt  }
.Lfunc_end0:
.L_simem_size_0:
called_computation.2_lowered:
.L_overlay_start_0:
0x88: {  	s2 =	sld [smem:$0x3FD9]  }
0x89: {  	s3 =	sld [smem:$0x3FFE];
	_ =	sdelay $0x1  }
0x8a: {  	s1 =	srdreg.scid  }
0x8b: {  	s0 =	sand.u32 $0x1, s1  }
0x8c: {  	s16 =	sshll.u32 s0, $0xA;
	s2 =	sadd.s32 s3, s2  }
0x8d: {  	s2 =	sadd.s32 s2, s16  }
0x8e: {  	[smem:$0x3FB3] =	sst s2  }
0x8f: {  	_ = 	snop  }
0x90: {  	(tm) =	ssettm $0x1  }
0x91: {  	s17 =	sld [smem:$0x3FFB];
	_ =	sdelay $0x3  }
0x92: {  	_ =	strace s17  }
0x93: {  	s2 =	sld [smem:$0x3FFC];
	_ =	sdelay $0x3  }
0x94: {  	_ =	strace s2  }
0x95: {  	s2 =	sld [smem:$0x3FFD];
	_ =	sdelay $0x3  }
0x96: {  	_ =	strace s2  }
0x97: {  	_ =	strace $0x8FFFFFFF  }
0x98: {  	s18 =	sld [smem:$0x3FDB];
	_ =	sdelay $0x1  }
0x99: {  	s19 =	simm.s32 $_scs_section_size  }
0x9a: {  	s4 =	simm.s32 $_size__tile_overlayer_lowered;
	s5 =	simm.s32 $_tile_overlayer_lowered  }
0x9b: {  	s22 =	simm.s32 $0x1BFF;
	s21 =	sshll.u32 s5, $0x1;
	s2 =	sadd.s32 s19, s18  }
0x9c: {  	s6 =	simm.s32 $0x0;
	s20 =	sshll.u32 s4, $0x1;
	s4 =	sadd.s32 s21, s2  }
0x9d: {  	[timem:s6], [sflag:s22] =	dma.local [hbm:s4], s20  }
0x9e: {  	_ =	swait.ge [sflag:s22], s20  }
0x9f: {  	s3 =	ssub.s32 $0x0, s20;
	[sflag:s22] =	ssyncset.done $0x0  }
0xa0: {  	[sflag:s22] =	ssyncadd.s32 s3;
	_ =	sdelay $0x1  }
0xa1: {  	s23 =	simm.s32 $0x1B8B  }
0xa2: {  	_ =	swait.ge [sflag:s23], $0x1  }
0xa3: {  	[sflag:s23] =	ssyncset.done $0x0  }
0xa4: {  	s25 =	simm.s32 $0x1B8E;
	s24 =	sld [smem:$0x3FFE];
	[sflag:s23] =	ssyncadd.s32 $0xFFFFFFFF  }
0xa5: {  	s26 =	simm.s32 $execute0_lowered;
	[smem:$0x3FD2] =	sst s25  }
0xa6: {  	s4 =	sshll.u32 s26, $0x1;
	_ =	strace $0x8000004C;
	[dreg:$0x1] =	wrdreg $0xFFFFFFFF  }
0xa7: {  	s28 =	simm.s32 $_size_execute0_lowered;
	s2 =	sadd.s32 s2, s4;
	[dreg:$0x0] =	wrdreg $0x0  }
0xa8: {  	s4 =	sshll.u32 s28, $0x1;
	[dreg:$0x2] =	wrdreg s2  }
0xa9: {  	[dreg:$0x3] =	wrdreg s4  }
0xaa: {  	[dreg:$0x4] =	wrdreg $0xC0  }
0xab: {  	_ =	task [dreg:s6], $0x5FFFF  }
0xac: {  	[dreg:$0x1] =	wrdreg $0xFFFFFFFF  }
0xad: {  	[dreg:$0x0] =	wrdreg $0x60  }
0xae: {  	[dreg:$0x2] =	wrdreg s24  }
0xaf: {  	[dreg:$0x3] =	wrdreg $0xC0000  }
0xb0: {  	[dreg:$0x4] =	wrdreg $0x9  }
0xb1: {  	_ =	task.clear_ibuf [dreg:s6], $0x5FFFF;
	_ =	strace $0x9000004C  }
0xb2: {  	s29 =	simm.s32 $0x9;
	_ =	strace $0x8000004E  }
0xb3: {  	_ =	swait.ge [sflag:s29], $0x1  }
0xb4: {  	[sflag:s29] =	ssyncadd.s32 $0xFFFFFFFF  }
0xb5: {  	_ =	strace $0x9000004E  }
0xb6: {  	_ =	sfence  }
0xb7: {  	s30 =	sld [smem:$0x0];
	_ =	sdelay $0x2  }
0xb8: {  	s31 =	sshll.u32 s1, $0xD;
	s1 =	sshrl.u32 s1, $0x2  }
0xb9: {  	s3 =	sand.u32 $0x4000, s31;
	s1 =	sadd.s32 s1, s30  }
0xba: {  	s0 =	sor.u32 s3, s0;
	s1 =	sshll.u32 s1, $0x11  }
0xbb: {  	s0 =	sor.u32 s1, s0  }
0xbc: {  	s0 =	sadd.s32 $0x8F2B, s0  }
0xbd: {  	[sflag:s0] =	ssyncadd.remote.s32 $0x1  }
0xbe: {  	_ =	sfence.sel $0xFFFF  }
0xbf: {  	[dreg:$0x0] =	wrdreg $0xFFFFFFFF;
	(pc) =	sbr.abs _section_cstart, $3  }
0xc0: {  	[dreg:$0x1] =	wrdreg $0xFFFFFFFF  }
0xc1: {  	_ =	task.clear_ibuf [dreg:s6], $0x2FFFF;
	_ =	strace $0x9FFFFFFF  }
0xc2: {  	(tm) =	ssettm $0x7FFFFFFF  }
0xc3: {  	_ =	shalt  }
tec
execute0_lowered:
.L_overlay_start_1:
0x0: {  	(tag) =	ssettag $0x1  }
0x1: {  	s6 =	rddreg [dreg:$0x0]  }
0x2: {  	s0 =	srdreg.scid;
	s2 =	rddreg [dreg:$0x1]  }
0x3: {  	s3 =	simm.s32 $0x0;
	s14 =	simm.s32 $0x40;
	s15 =	simm.s32 $0xA000  }
0x4: {  	s16 =	simm.s32 $0x1;
	s5 =	sand.u32 $0x1, s0;
	s0 =	stileid.u32  }
0x5: {  	s17 =	simm.s32 $0x0;
	[smem:$0x7FF] =	sst s3;
	s8 =	smul.u32 $0x140000, s5  }
0x6: {  	s4 =	sadd.s32 $0x38400, s6;
	s1 =	sshll.u32 s5, $0x4;
	s9 =	smul.u32 $0x14000, s0  }
0x7: {  	s30 =	ssub.s32 $0x2, s5;
	s11 =	smul.u32 $0x50000, s0;
	s5 =	sadd.s32 $0x35C00, s6  }
0x8: {  	s12 =	sshll.u32 s0, $0x6;
	s1 =	sor.u32 s0, s1;
	s10 =	sshrl.u32 s30, $0x1  }
0x9: {  	s12 =	sor.u32 $0x1C02, s12;
	s7 =	smul.u32 $0xA00, s1;
	s1 =	rddreg [dreg:$0x2]  }
0xa: {  	_ =	strace $0x8000004D;
	s8 =	sadd.s32 s9, s8;
	s9 =	ssub.s32 s30, s10  }
0xb: {  	s31 =	sshrl.u32 s11, $0x2;
	s10 =	simm.s32 $0x2;
	s11 =	simm.s32 $0x5000  }
0xc: {  	s8 =	sshrl.u32 s8, $0x3;
	s13 =	sadd.s32 s31, s2;
	s9 =	smax.u32 s9, $0x1  }
0xd: {  	s7 =	sadd.s32 s7, s6;
	s8 =	sadd.s32 s8, s6;
	s13 =	sshrl.u32 s13, $0x3  }
0xe: {  	s6 =	sadd.s32 $0x21C00, s7;
	s7 =	sadd.s32 $0x3C00, s7;
	s8 =	sadd.s32 $0x5F600, s8  }
.LBB2_1:
0xf: {  	[tilespmem:s3], [sflag:$0x2] =	stream.linear.gather [hbm4b:s6+s3], $0x4E80, $0x38;
	v63 =	vld [tilespmem:$0x0]  }
0x10: {  	_ =	swait.ge [sflag:s10], $0x4E80  }
0x11: {  	[sflag:s10] =	ssyncset.done $0x0  }
0x12: {  	[sflag:s10] =	ssyncadd.s32 $0xFFFFB180  }
0x13: {  	[tilespmem:s11], [sflag:$0x2] =	stream.linear.gather [hbm4b:s7+s3], $0x4E80, $0x38;
	v63 =	vld [tilespmem:$0x0]  }
0x14: {  	_ =	swait.ge [sflag:s10], $0x4E80  }
0x15: {  	[sflag:s10] =	ssyncset.done $0x0  }
0x16: {  	[sflag:s10] =	ssyncadd.s32 $0xFFFFB180  }
0x17: {  	[spmem:s13], [sflag:s12] =	dma.local [hbm:s5], $0x2800  }
0x18: {  	_ =	swait.ge [sflag:s10], $0x2800  }
0x19: {  	[sflag:s10] =	ssyncset.done $0x0  }
0x1a: {  	[sflag:s10] =	ssyncadd.s32 $0xFFFFD800  }
0x1b: {  	s18 =	simm.s32 $0x0;
	[bflag:$0x0] =	sbarrier.arrive $0xFFFF  }
0x1c: {  	[tilespmem:s15], [sflag:$0x1] =	stream.indirect.gather [hbm4b:s4+s14], $0x80, s18, s14, $0xb8;
	v63 =	vld [tilespmem:$0x0]  }
0x1d: {  	_ =	swait.ge [sflag:s16], $0x2000  }
0x1e: {  	[sflag:s16] =	ssyncset.done $0x0  }
0x1f: {  	s31 =	simm.s32 $0x5000;
	[sflag:s16] =	ssyncadd.s32 $0xFFFFE000  }
0x20: {  	[spmem:s2] =	stream.indirect.scatter.add.f32 [tilespmem:s15], [sflag:$0x2], $0x80, s31, s14, $0xb8;
	v63 =	vld [tilespmem:$0x0]  }
0x21: {  	_ =	swait.ge [sflag:s10], $0x2000  }
0x22: {  	s19 =	simm.s32 $0x400;
	s18 =	simm.s32 $0x200;
	[sflag:s10] =	ssyncset.done $0x0  }
.LBB2_2:
0x23: {  	s20 =	sshra.s32 s18, $0x2  }
0x24: {  	[sflag:s10] =	ssyncadd.s32 $0xFFFFE000;
	s18 =	smov.u32 s19;
	s21 =	sadd.s32 $0x200, s19  }
0x25: {  	[tilespmem:s15], [sflag:$0x1] =	stream.indirect.gather [hbm4b:s4+s14], $0x80, s20, s14, $0xb8;
	v63 =	vld [tilespmem:$0x0]  }
0x26: {  	p0 =	sne.s32 s19, $0x13800;
	_ =	swait.ge [sflag:s16], $0x2000  }
.Ltmp0:
0x27: {  	[sflag:s16] =	ssyncset.done $0x0;
	(pc) =	sbr.rel @p0 .LBB2_2-.Ltmp0, $4  }
0x28: {  	s19 =	sadd.s32 $0x5000, s20;
	[sflag:s16] =	ssyncadd.s32 $0xFFFFE000  }
0x29: {  	[spmem:s2] =	stream.indirect.scatter.add.f32 [tilespmem:s15], [sflag:$0x2], $0x80, s19, s14, $0xb8;
	v63 =	vld [tilespmem:$0x0]  }
0x2a: {  	_ =	swait.ge [sflag:s10], $0x2000  }
0x2b: {  	s19 =	smov.u32 s21;
	[sflag:s10] =	ssyncset.done $0x0  }
0x2c: {  	s18 =	sshra.s32 s18, $0x2;
	[sflag:s10] =	ssyncadd.s32 $0xFFFFE000  }
0x2d: {  	[tilespmem:s15], [sflag:$0x1] =	stream.indirect.gather [hbm4b:s4+s14], $0x80, s18, s14, $0xb8;
	v63 =	vld [tilespmem:$0x0]  }
0x2e: {  	_ =	swait.ge [sflag:s16], $0x2000  }
0x2f: {  	[sflag:s16] =	ssyncset.done $0x0  }
0x30: {  	s18 =	sadd.s32 $0x5000, s18;
	[sflag:s16] =	ssyncadd.s32 $0xFFFFE000  }
0x31: {  	[spmem:s2] =	stream.indirect.scatter.add.f32 [tilespmem:s15], [sflag:$0x2], $0x80, s18, s14, $0xb8;
	v63 =	vld [tilespmem:$0x0]  }
0x32: {  	_ =	swait.ge [sflag:s10], $0x2000  }
0x33: {  	s17 =	sadd.s32 $0x1, s17;
	[sflag:s10] =	ssyncset.done $0x0  }
0x34: {  	p0 =	sne.s32 s17, s9;
	[sflag:s10] =	ssyncadd.s32 $0xFFFFE000  }
.Ltmp1:
0x35: {  	[bflag:$0x0] =	sbarrier.arrive $0xFFFF;
	(pc) =	sbr.rel @p0 .LBB2_1-.Ltmp1, $4  }
0x36: {  	[hbm:s8], [sflag:s12] =	dma.local [spmem:s13], $0x2800  }
0x37: {  	_ =	swait.ge [sflag:s10], $0x2800  }
0x38: {  	[sflag:s10] =	ssyncset.done $0x0  }
0x39: {  	[sflag:s10] =	ssyncadd.s32 $0xFFFFD800  }
0x3a: {  	_ =	sfence.sel $0x180000  }
0x3b: {  	[bflag:$0x0] =	sbarrier.arrive $0xFFFF  }
0x3c: {  	p0 =	sne.s32 s0, $0x0;
	_ =	strace $0x9000004D  }
0x3d: {  	s0 =	sadd.s32 @!p0 $0x100000, s1;
	[bflag:$0x2] =	sbarrier.arrive $0xFFFF  }
0x3e: {  	[sflag:s0] =	ssyncadd.tile.s32 @!p0 $0x1;
	_ =	shalt  }
.Lfunc_end2:
_tile_overlayer_lowered:
.L_overlay_start_2:
0x3f: {  	(tag) =	ssettag $0x2  }
0x40: {  	s0 =	rddreg [dreg:$0x0];
	s2 =	stileid.u32  }
0x41: {  	s1 =	rddreg [dreg:$0x1];
	p0 =	sne.s32 s2, $0x0  }
0x42: {  	s3 =	rddreg [dreg:$0x2];
	[bflag:$0x3] =	sbarrier.arrive $0xFFFF;
	s2 =	simm.s32 @!p0 $0x1C02  }
0x43: {  	[timem:s3], [sflag:s2] =	dma.local @!p0 [hbm:s0], s1  }
0x44: {  	s0 =	simm.s32 @!p0 $0x2  }
0x45: {  	_ =	swait.ge @!p0 [sflag:s0], s1  }
0x46: {  	s1 =	ssub.s32 @!p0 $0x0, s1;
	[sflag:s0] =	ssyncset.done @!p0 $0x0  }
0x47: {  	[sflag:s0] =	ssyncadd.s32 @!p0 s1  }
0x48: {  	[bflag:$0x3] =	sbarrier.arrive $0xFFFF  }
0x49: {  	_ =	shalt  }

// kernel: kernel.18.cloned.1.call-start
scs
__scs_entry_jumppad:
0x0: {  	(pc) =	sbr.rel $0x88, $3  }
0x1: {  	(tag) =	ssettag $0x0;
	lr =	simm.s32 $0x1  }
0x2: {  	[smem:$0x3F8C] =	sst lr;
	_ =	strace $0xD0000000  }
0x3: {  	_ = 	snop  }
0x4: {  	_ = 	snop  }
0x5: {  	_ = 	snop  }
0x6: {  	_ = 	snop  }
0x7: {  	_ = 	snop  }
__scs_overlays_trampoline_lowered:
0x8: {  	[smem:$0x3F9B] =	sst s0  }
0x9: {  	[smem:$0x3F9C] =	sst s1  }
0xa: {  	[smem:$0x3F9D] =	sst s2  }
0xb: {  	[smem:$0x3F9E] =	sst s3  }
0xc: {  	[smem:$0x3F9F] =	sst s4  }
0xd: {  	[smem:$0x3FA0] =	sst s5  }
0xe: {  	[smem:$0x3FA1] =	sst s6  }
0xf: {  	[smem:$0x3FA2] =	sst s7  }
0x10: {  	[smem:$0x3FA3] =	sst s8  }
0x11: {  	[smem:$0x3FA4] =	sst s9;
	s0 =	simm.s32 @!p0 $0x0  }
0x12: {  	s1 =	sld [smem:$0x3F8A];
	s0 =	simm.s32 @p0 $0x1  }
0x13: {  	[smem:$0x3FA5] =	sst s0;
	s0 =	simm.s32 @!p1 $0x0  }
0x14: {  	s2 =	sld [smem:$0x3F89];
	s0 =	simm.s32 @p1 $0x1  }
0x15: {  	[smem:$0x3FA6] =	sst s0;
	s0 =	simm.s32 @!p2 $0x0  }
0x16: {  	s3 =	sld [smem:$0x3FDB];
	s0 =	simm.s32 @p2 $0x1  }
0x17: {  	s4 =	simm.s32 $0x1BF5;
	[smem:$0x3FA8] =	sst s0  }
0x18: {  	s0 =	sld [smem:$0x3F8B];
	_ =	swait.ge [sflag:s4], $0x0  }
0x19: {  	s7 =	sld [smem:$0x3F8C]  }
0x1a: {  	s8 =	sadd.s32 $0xFFFFE003, lr  }
0x1b: {  	s9 =	sadd.s32 $0xFFFFFEF7, lr;
	s5 =	simm.s32 $0xFFFFFFFF;
	p2 =	slt.u32 s8, $0xFFFFF086  }
0x1c: {  	p1 =	slt.u32 s9, $0xF7A;
	s5 =	simm.s32 @!p2 $0x0  }
0x1d: {  	s5 =	simm.s32 @p1 $0x1;
	p0 =	seq.s32 s7, s2  }
0x1e: {  	s7 =	smul.u32 @!p0 $0xF7A, s2;
	p2 =	seq.s32 @!p0 s5, $0x0  }
0x1f: {  	s9 =	smul.u32 $0xF7A, s1;
	s8 =	simm.s32 @!p0 $0x1BF5;
	p2 =	por !p2, p0  }
0x20: {  	[sflag:s8] =	ssyncset.s32 @!p0 $0xFFFFF086;
	s6 =	sadd.s32 @!p0 s3, s7;
	s7 =	simm.s32 @!p0 $0x108  }
0x21: {  	s3 =	sadd.s32 s3, s9;
	s6 =	sadd.s32 @!p0 $0x88, s6;
	s7 =	simm.s32 @p2 $0x1082  }
0x22: {  	[simem:s7], [sflag:s8] =	dma.local @!p0 [hbm:s6], $0xF7A  }
0x23: {  	s9 =	sor.u32 $0xD0000000, s2;
	s6 =	simm.s32 $0x108;
	_ =	swait.ge @!p0 [sflag:s8], $0x0  }
0x24: {  	s3 =	sadd.s32 $0x88, s3;
	s6 =	simm.s32 @!p1 $0x1082;
	[sflag:s4] =	ssyncset.s32 $0xFFFFF086  }
0x25: {  	[simem:s6], [sflag:s4] =	dma.local [hbm:s3], $0xF7A  }
0x26: {  	[smem:$0x3F8C] =	sst s1;
	(tag) =	ssettag s2;
	_ =	strace s9  }
0x27: {  	s1 =	sld [smem:$0x3F9C]  }
0x28: {  	s2 =	sld [smem:$0x3F9D]  }
0x29: {  	s4 =	sld [smem:$0x3F9F]  }
0x2a: {  	p0 =	seq.s32 s5, $0x0;
	s5 =	sld [smem:$0x3FA0]  }
0x2b: {  	s6 =	sld [smem:$0x3FA1]  }
0x2c: {  	s7 =	sld [smem:$0x3FA2]  }
0x2d: {  	s3 =	simm.s32 $0x108;
	s8 =	sld [smem:$0x3FA3]  }
0x2e: {  	s3 =	simm.s32 @!p0 $0x1082;
	s9 =	sld [smem:$0x3FA4]  }
0x2f: {  	lr =	sadd.s32 s0, s3;
	s0 =	sld [smem:$0x3F9B]  }
0x30: {  	s3 =	sld [smem:$0x3F9E]  }
0x31: {  	[smem:$0x3FA7] =	sst s10  }
0x32: {  	s10 =	sld [smem:$0x3FA5];
	_ =	sdelay $0x3  }
0x33: {  	p0 =	seq.s32 s10, $0x1;
	s10 =	sld [smem:$0x3FA7];
	_ =	sdelay $0x3  }
0x34: {  	[smem:$0x3FA7] =	sst s10  }
0x35: {  	s10 =	sld [smem:$0x3FA6];
	_ =	sdelay $0x3  }
0x36: {  	p1 =	seq.s32 s10, $0x1;
	s10 =	sld [smem:$0x3FA7];
	_ =	sdelay $0x3  }
0x37: {  	[smem:$0x3FA7] =	sst s10  }
0x38: {  	s10 =	sld [smem:$0x3FA8]  }
0x39: {  	_ = 	snop;
	(pc) =	sbr.ind lr, $3  }
0x3a: {  	_ = 	snop  }
0x3b: {  	_ = 	snop  }
0x3c: {  	p2 =	seq.s32 s10, $0x1;
	s10 =	sld [smem:$0x3FA7]  }
0x3d: {  	_ =	shalt  }
0x3e: {  	_ =	shalt  }
0x3f: {  	_ =	shalt  }
0x40: {  	_ =	shalt  }
0x41: {  	_ =	shalt  }
0x42: {  	_ =	shalt  }
0x43: {  	_ =	shalt  }
0x44: {  	_ =	shalt  }
0x45: {  	_ =	shalt  }
0x46: {  	_ =	shalt  }
0x47: {  	_ =	shalt  }
0x48: {  	_ =	shalt  }
0x49: {  	_ =	shalt  }
0x4a: {  	_ =	shalt  }
0x4b: {  	_ =	shalt  }
0x4c: {  	_ =	shalt  }
0x4d: {  	_ =	shalt  }
0x4e: {  	_ =	shalt  }
0x4f: {  	_ =	shalt  }
0x50: {  	_ =	shalt  }
0x51: {  	_ =	shalt  }
0x52: {  	_ =	shalt  }
0x53: {  	_ =	shalt  }
0x54: {  	_ =	shalt  }
0x55: {  	_ =	shalt  }
0x56: {  	_ =	shalt  }
0x57: {  	_ =	shalt  }
0x58: {  	_ =	shalt  }
0x59: {  	_ =	shalt  }
0x5a: {  	_ =	shalt  }
0x5b: {  	_ =	shalt  }
0x5c: {  	_ =	shalt  }
0x5d: {  	_ =	shalt  }
0x5e: {  	_ =	shalt  }
0x5f: {  	_ =	shalt  }
0x60: {  	_ =	shalt  }
0x61: {  	_ =	shalt  }
0x62: {  	_ =	shalt  }
0x63: {  	_ =	shalt  }
0x64: {  	_ =	shalt  }
0x65: {  	_ =	shalt  }
0x66: {  	_ =	shalt  }
0x67: {  	_ =	shalt  }
0x68: {  	_ =	shalt  }
0x69: {  	_ =	shalt  }
0x6a: {  	_ =	shalt  }
0x6b: {  	_ =	shalt  }
0x6c: {  	_ =	shalt  }
0x6d: {  	_ =	shalt  }
0x6e: {  	_ =	shalt  }
0x6f: {  	_ =	shalt  }
0x70: {  	_ =	shalt  }
0x71: {  	_ =	shalt  }
0x72: {  	_ =	shalt  }
0x73: {  	_ =	shalt  }
0x74: {  	_ =	shalt  }
0x75: {  	_ =	shalt  }
0x76: {  	_ =	shalt  }
0x77: {  	_ =	shalt  }
0x78: {  	_ =	shalt  }
0x79: {  	_ =	shalt  }
0x7a: {  	_ =	shalt  }
0x7b: {  	_ =	shalt  }
0x7c: {  	_ =	shalt  }
0x7d: {  	_ =	shalt  }
0x7e: {  	_ =	shalt  }
0x7f: {  	_ =	shalt  }
0x80: {  	_ =	shalt  }
0x81: {  	_ =	shalt  }
0x82: {  	_ =	shalt  }
0x83: {  	_ =	shalt  }
0x84: {  	_ =	shalt  }
0x85: {  	_ =	shalt  }
0x86: {  	_ =	shalt  }
0x87: {  	_ =	shalt  }
.Lfunc_end0:
.L_simem_size_0:
called_computation.3_lowered:
.L_overlay_start_0:
0x88: {  	s2 =	sld [smem:$0x3FD9]  }
0x89: {  	s3 =	sld [smem:$0x3FFE];
	_ =	sdelay $0x1  }
0x8a: {  	s1 =	srdreg.scid  }
0x8b: {  	s0 =	sand.u32 $0x1, s1  }
0x8c: {  	s16 =	sshll.u32 s0, $0xA;
	s2 =	sadd.s32 s3, s2  }
0x8d: {  	s2 =	sadd.s32 s2, s16  }
0x8e: {  	[smem:$0x3FB3] =	sst s2  }
0x8f: {  	_ = 	snop  }
0x90: {  	(tm) =	ssettm $0x1  }
0x91: {  	s17 =	sld [smem:$0x3FFB];
	_ =	sdelay $0x3  }
0x92: {  	_ =	strace s17  }
0x93: {  	s2 =	sld [smem:$0x3FFC];
	_ =	sdelay $0x3  }
0x94: {  	_ =	strace s2  }
0x95: {  	s2 =	sld [smem:$0x3FFD];
	_ =	sdelay $0x3  }
0x96: {  	_ =	strace s2  }
0x97: {  	_ =	strace $0x8FFFFFFF  }
0x98: {  	s18 =	sld [smem:$0x3FDB];
	_ =	sdelay $0x1  }
0x99: {  	s19 =	simm.s32 $_scs_section_size  }
0x9a: {  	s4 =	simm.s32 $_size__tile_overlayer_lowered;
	s5 =	simm.s32 $_tile_overlayer_lowered  }
0x9b: {  	s22 =	simm.s32 $0x1BFF;
	s21 =	sshll.u32 s5, $0x1;
	s2 =	sadd.s32 s19, s18  }
0x9c: {  	s6 =	simm.s32 $0x0;
	s20 =	sshll.u32 s4, $0x1;
	s4 =	sadd.s32 s21, s2  }
0x9d: {  	[timem:s6], [sflag:s22] =	dma.local [hbm:s4], s20  }
0x9e: {  	_ =	swait.ge [sflag:s22], s20  }
0x9f: {  	s3 =	ssub.s32 $0x0, s20;
	[sflag:s22] =	ssyncset.done $0x0  }
0xa0: {  	[sflag:s22] =	ssyncadd.s32 s3;
	_ =	sdelay $0x1  }
0xa1: {  	s23 =	simm.s32 $0x1B8B  }
0xa2: {  	_ =	swait.ge [sflag:s23], $0x1  }
0xa3: {  	[sflag:s23] =	ssyncset.done $0x0  }
0xa4: {  	s25 =	simm.s32 $0x1B8E;
	s24 =	sld [smem:$0x3FFE];
	[sflag:s23] =	ssyncadd.s32 $0xFFFFFFFF  }
0xa5: {  	s26 =	simm.s32 $execute0_lowered;
	[smem:$0x3FD2] =	sst s25  }
0xa6: {  	s4 =	sshll.u32 s26, $0x1;
	_ =	strace $0x8000004F;
	[dreg:$0x1] =	wrdreg $0xFFFFFFFF  }
0xa7: {  	s28 =	simm.s32 $_size_execute0_lowered;
	s2 =	sadd.s32 s2, s4;
	[dreg:$0x0] =	wrdreg $0x0  }
0xa8: {  	s4 =	sshll.u32 s28, $0x1;
	[dreg:$0x2] =	wrdreg s2  }
0xa9: {  	[dreg:$0x3] =	wrdreg s4  }
0xaa: {  	[dreg:$0x4] =	wrdreg $0xC0  }
0xab: {  	_ =	task [dreg:s6], $0x5FFFF  }
0xac: {  	[dreg:$0x1] =	wrdreg $0xFFFFFFFF  }
0xad: {  	[dreg:$0x0] =	wrdreg $0x60  }
0xae: {  	[dreg:$0x2] =	wrdreg s24  }
0xaf: {  	[dreg:$0x3] =	wrdreg $0xC0000  }
0xb0: {  	[dreg:$0x4] =	wrdreg $0x9  }
0xb1: {  	_ =	task.clear_ibuf [dreg:s6], $0x5FFFF;
	_ =	strace $0x9000004F  }
0xb2: {  	s29 =	simm.s32 $0x9;
	_ =	strace $0x80000051  }
0xb3: {  	_ =	swait.ge [sflag:s29], $0x1  }
0xb4: {  	[sflag:s29] =	ssyncadd.s32 $0xFFFFFFFF  }
0xb5: {  	_ =	strace $0x90000051  }
0xb6: {  	_ =	sfence  }
0xb7: {  	s30 =	sld [smem:$0x0];
	_ =	sdelay $0x2  }
0xb8: {  	s31 =	sshll.u32 s1, $0xD;
	s1 =	sshrl.u32 s1, $0x2  }
0xb9: {  	s3 =	sand.u32 $0x4000, s31;
	s1 =	sadd.s32 s1, s30  }
0xba: {  	s0 =	sor.u32 s3, s0;
	s1 =	sshll.u32 s1, $0x11  }
0xbb: {  	s0 =	sor.u32 s1, s0  }
0xbc: {  	s0 =	sadd.s32 $0x8F2B, s0  }
0xbd: {  	[sflag:s0] =	ssyncadd.remote.s32 $0x1  }
0xbe: {  	_ =	sfence.sel $0xFFFF  }
0xbf: {  	[dreg:$0x0] =	wrdreg $0xFFFFFFFF;
	(pc) =	sbr.abs _section_cstart, $3  }
0xc0: {  	[dreg:$0x1] =	wrdreg $0xFFFFFFFF  }
0xc1: {  	_ =	task.clear_ibuf [dreg:s6], $0x2FFFF;
	_ =	strace $0x9FFFFFFF  }
0xc2: {  	(tm) =	ssettm $0x7FFFFFFF  }
0xc3: {  	_ =	shalt  }
tec
execute0_lowered:
.L_overlay_start_1:
0x0: {  	(tag) =	ssettag $0x1  }
0x1: {  	s6 =	rddreg [dreg:$0x0]  }
0x2: {  	s0 =	srdreg.scid;
	s2 =	rddreg [dreg:$0x1]  }
0x3: {  	s3 =	simm.s32 $0x0;
	s14 =	simm.s32 $0x40;
	s15 =	simm.s32 $0xA000  }
0x4: {  	s16 =	simm.s32 $0x1;
	s5 =	sand.u32 $0x1, s0;
	s0 =	stileid.u32  }
0x5: {  	s17 =	simm.s32 $0x0;
	[smem:$0x7FF] =	sst s3;
	s8 =	smul.u32 $0x140000, s5  }
0x6: {  	s4 =	sadd.s32 $0x38400, s6;
	s1 =	sshll.u32 s5, $0x4;
	s9 =	smul.u32 $0x14000, s0  }
0x7: {  	s30 =	ssub.s32 $0x2, s5;
	s11 =	smul.u32 $0x50000, s0;
	s5 =	sadd.s32 $0x35C00, s6  }
0x8: {  	s12 =	sshll.u32 s0, $0x6;
	s1 =	sor.u32 s0, s1;
	s10 =	sshrl.u32 s30, $0x1  }
0x9: {  	s12 =	sor.u32 $0x1C02, s12;
	s7 =	smul.u32 $0xA00, s1;
	s1 =	rddreg [dreg:$0x2]  }
0xa: {  	_ =	strace $0x80000050;
	s8 =	sadd.s32 s9, s8;
	s9 =	ssub.s32 s30, s10  }
0xb: {  	s31 =	sshrl.u32 s11, $0x2;
	s10 =	simm.s32 $0x2;
	s11 =	simm.s32 $0x5000  }
0xc: {  	s8 =	sshrl.u32 s8, $0x3;
	s13 =	sadd.s32 s31, s2;
	s9 =	smax.u32 s9, $0x1  }
0xd: {  	s7 =	sadd.s32 s7, s6;
	s8 =	sadd.s32 s8, s6;
	s13 =	sshrl.u32 s13, $0x3  }
0xe: {  	s6 =	sadd.s32 $0x21C00, s7;
	s7 =	sadd.s32 $0x3C00, s7;
	s8 =	sadd.s32 $0x5F600, s8  }
.LBB2_1:
0xf: {  	[tilespmem:s3], [sflag:$0x2] =	stream.linear.gather [hbm4b:s6+s3], $0x4E80, $0x38;
	v63 =	vld [tilespmem:$0x0]  }
0x10: {  	_ =	swait.ge [sflag:s10], $0x4E80  }
0x11: {  	[sflag:s10] =	ssyncset.done $0x0  }
0x12: {  	[sflag:s10] =	ssyncadd.s32 $0xFFFFB180  }
0x13: {  	[tilespmem:s11], [sflag:$0x2] =	stream.linear.gather [hbm4b:s7+s3], $0x4E80, $0x38;
	v63 =	vld [tilespmem:$0x0]  }
0x14: {  	_ =	swait.ge [sflag:s10], $0x4E80  }
0x15: {  	[sflag:s10] =	ssyncset.done $0x0  }
0x16: {  	[sflag:s10] =	ssyncadd.s32 $0xFFFFB180  }
0x17: {  	[spmem:s13], [sflag:s12] =	dma.local [hbm:s5], $0x2800  }
0x18: {  	_ =	swait.ge [sflag:s10], $0x2800  }
0x19: {  	[sflag:s10] =	ssyncset.done $0x0  }
0x1a: {  	[sflag:s10] =	ssyncadd.s32 $0xFFFFD800  }
0x1b: {  	s18 =	simm.s32 $0x0;
	[bflag:$0x0] =	sbarrier.arrive $0xFFFF  }
0x1c: {  	[tilespmem:s15], [sflag:$0x1] =	stream.indirect.gather [hbm4b:s4+s14], $0x80, s18, s14, $0xb8;
	v63 =	vld [tilespmem:$0x0]  }
0x1d: {  	_ =	swait.ge [sflag:s16], $0x2000  }
0x1e: {  	[sflag:s16] =	ssyncset.done $0x0  }
0x1f: {  	s31 =	simm.s32 $0x5000;
	[sflag:s16] =	ssyncadd.s32 $0xFFFFE000  }
0x20: {  	[spmem:s2] =	stream.indirect.scatter.add.f32 [tilespmem:s15], [sflag:$0x2], $0x80, s31, s14, $0xb8;
	v63 =	vld [tilespmem:$0x0]  }
0x21: {  	_ =	swait.ge [sflag:s10], $0x2000  }
0x22: {  	s19 =	simm.s32 $0x400;
	s18 =	simm.s32 $0x200;
	[sflag:s10] =	ssyncset.done $0x0  }
.LBB2_2:
0x23: {  	s20 =	sshra.s32 s18, $0x2  }
0x24: {  	[sflag:s10] =	ssyncadd.s32 $0xFFFFE000;
	s18 =	smov.u32 s19;
	s21 =	sadd.s32 $0x200, s19  }
0x25: {  	[tilespmem:s15], [sflag:$0x1] =	stream.indirect.gather [hbm4b:s4+s14], $0x80, s20, s14, $0xb8;
	v63 =	vld [tilespmem:$0x0]  }
0x26: {  	p0 =	sne.s32 s19, $0x13800;
	_ =	swait.ge [sflag:s16], $0x2000  }
.Ltmp0:
0x27: {  	[sflag:s16] =	ssyncset.done $0x0;
	(pc) =	sbr.rel @p0 .LBB2_2-.Ltmp0, $4  }
0x28: {  	s19 =	sadd.s32 $0x5000, s20;
	[sflag:s16] =	ssyncadd.s32 $0xFFFFE000  }
0x29: {  	[spmem:s2] =	stream.indirect.scatter.add.f32 [tilespmem:s15], [sflag:$0x2], $0x80, s19, s14, $0xb8;
	v63 =	vld [tilespmem:$0x0]  }
0x2a: {  	_ =	swait.ge [sflag:s10], $0x2000  }
0x2b: {  	s19 =	smov.u32 s21;
	[sflag:s10] =	ssyncset.done $0x0  }
0x2c: {  	s18 =	sshra.s32 s18, $0x2;
	[sflag:s10] =	ssyncadd.s32 $0xFFFFE000  }
0x2d: {  	[tilespmem:s15], [sflag:$0x1] =	stream.indirect.gather [hbm4b:s4+s14], $0x80, s18, s14, $0xb8;
	v63 =	vld [tilespmem:$0x0]  }
0x2e: {  	_ =	swait.ge [sflag:s16], $0x2000  }
0x2f: {  	[sflag:s16] =	ssyncset.done $0x0  }
0x30: {  	s18 =	sadd.s32 $0x5000, s18;
	[sflag:s16] =	ssyncadd.s32 $0xFFFFE000  }
0x31: {  	[spmem:s2] =	stream.indirect.scatter.add.f32 [tilespmem:s15], [sflag:$0x2], $0x80, s18, s14, $0xb8;
	v63 =	vld [tilespmem:$0x0]  }
0x32: {  	_ =	swait.ge [sflag:s10], $0x2000  }
0x33: {  	s17 =	sadd.s32 $0x1, s17;
	[sflag:s10] =	ssyncset.done $0x0  }
0x34: {  	p0 =	sne.s32 s17, s9;
	[sflag:s10] =	ssyncadd.s32 $0xFFFFE000  }
.Ltmp1:
0x35: {  	[bflag:$0x0] =	sbarrier.arrive $0xFFFF;
	(pc) =	sbr.rel @p0 .LBB2_1-.Ltmp1, $4  }
0x36: {  	[hbm:s8], [sflag:s12] =	dma.local [spmem:s13], $0x2800  }
0x37: {  	_ =	swait.ge [sflag:s10], $0x2800  }
0x38: {  	[sflag:s10] =	ssyncset.done $0x0  }
0x39: {  	[sflag:s10] =	ssyncadd.s32 $0xFFFFD800  }
0x3a: {  	_ =	sfence.sel $0x180000  }
0x3b: {  	[bflag:$0x0] =	sbarrier.arrive $0xFFFF  }
0x3c: {  	p0 =	sne.s32 s0, $0x0;
	_ =	strace $0x90000050  }
0x3d: {  	s0 =	sadd.s32 @!p0 $0x100000, s1;
	[bflag:$0x2] =	sbarrier.arrive $0xFFFF  }
0x3e: {  	[sflag:s0] =	ssyncadd.tile.s32 @!p0 $0x1;
	_ =	shalt  }
.Lfunc_end2:
_tile_overlayer_lowered:
.L_overlay_start_2:
0x3f: {  	(tag) =	ssettag $0x2  }
0x40: {  	s0 =	rddreg [dreg:$0x0];
	s2 =	stileid.u32  }
0x41: {  	s1 =	rddreg [dreg:$0x1];
	p0 =	sne.s32 s2, $0x0  }
0x42: {  	s3 =	rddreg [dreg:$0x2];
	[bflag:$0x3] =	sbarrier.arrive $0xFFFF;
	s2 =	simm.s32 @!p0 $0x1C02  }
0x43: {  	[timem:s3], [sflag:s2] =	dma.local @!p0 [hbm:s0], s1  }
0x44: {  	s0 =	simm.s32 @!p0 $0x2  }
0x45: {  	_ =	swait.ge @!p0 [sflag:s0], s1  }
0x46: {  	s1 =	ssub.s32 @!p0 $0x0, s1;
	[sflag:s0] =	ssyncset.done @!p0 $0x0  }
0x47: {  	[sflag:s0] =	ssyncadd.s32 @!p0 s1  }
0x48: {  	[bflag:$0x3] =	sbarrier.arrive $0xFFFF  }
0x49: {  	_ =	shalt  }

// kernel: kernel.9.cloned.1.call-start
scs
__scs_entry_jumppad:
0x0: {  	(pc) =	sbr.rel $0x88, $3  }
0x1: {  	(tag) =	ssettag $0x0;
	lr =	simm.s32 $0x1  }
0x2: {  	[smem:$0x3F8C] =	sst lr;
	_ =	strace $0xD0000000  }
0x3: {  	_ = 	snop  }
0x4: {  	_ = 	snop  }
0x5: {  	_ = 	snop  }
0x6: {  	_ = 	snop  }
0x7: {  	_ = 	snop  }
__scs_overlays_trampoline_lowered:
0x8: {  	[smem:$0x3F9B] =	sst s0  }
0x9: {  	[smem:$0x3F9C] =	sst s1  }
0xa: {  	[smem:$0x3F9D] =	sst s2  }
0xb: {  	[smem:$0x3F9E] =	sst s3  }
0xc: {  	[smem:$0x3F9F] =	sst s4  }
0xd: {  	[smem:$0x3FA0] =	sst s5  }
0xe: {  	[smem:$0x3FA1] =	sst s6  }
0xf: {  	[smem:$0x3FA2] =	sst s7  }
0x10: {  	[smem:$0x3FA3] =	sst s8  }
0x11: {  	[smem:$0x3FA4] =	sst s9;
	s0 =	simm.s32 @!p0 $0x0  }
0x12: {  	s1 =	sld [smem:$0x3F8A];
	s0 =	simm.s32 @p0 $0x1  }
0x13: {  	[smem:$0x3FA5] =	sst s0;
	s0 =	simm.s32 @!p1 $0x0  }
0x14: {  	s2 =	sld [smem:$0x3F89];
	s0 =	simm.s32 @p1 $0x1  }
0x15: {  	[smem:$0x3FA6] =	sst s0;
	s0 =	simm.s32 @!p2 $0x0  }
0x16: {  	s3 =	sld [smem:$0x3FDB];
	s0 =	simm.s32 @p2 $0x1  }
0x17: {  	s4 =	simm.s32 $0x1BF5;
	[smem:$0x3FA8] =	sst s0  }
0x18: {  	s0 =	sld [smem:$0x3F8B];
	_ =	swait.ge [sflag:s4], $0x0  }
0x19: {  	s7 =	sld [smem:$0x3F8C]  }
0x1a: {  	s8 =	sadd.s32 $0xFFFFE003, lr  }
0x1b: {  	s9 =	sadd.s32 $0xFFFFFEF7, lr;
	s5 =	simm.s32 $0xFFFFFFFF;
	p2 =	slt.u32 s8, $0xFFFFF086  }
0x1c: {  	p1 =	slt.u32 s9, $0xF7A;
	s5 =	simm.s32 @!p2 $0x0  }
0x1d: {  	s5 =	simm.s32 @p1 $0x1;
	p0 =	seq.s32 s7, s2  }
0x1e: {  	s7 =	smul.u32 @!p0 $0xF7A, s2;
	p2 =	seq.s32 @!p0 s5, $0x0  }
0x1f: {  	s9 =	smul.u32 $0xF7A, s1;
	s8 =	simm.s32 @!p0 $0x1BF5;
	p2 =	por !p2, p0  }
0x20: {  	[sflag:s8] =	ssyncset.s32 @!p0 $0xFFFFF086;
	s6 =	sadd.s32 @!p0 s3, s7;
	s7 =	simm.s32 @!p0 $0x108  }
0x21: {  	s3 =	sadd.s32 s3, s9;
	s6 =	sadd.s32 @!p0 $0x88, s6;
	s7 =	simm.s32 @p2 $0x1082  }
0x22: {  	[simem:s7], [sflag:s8] =	dma.local @!p0 [hbm:s6], $0xF7A  }
0x23: {  	s9 =	sor.u32 $0xD0000000, s2;
	s6 =	simm.s32 $0x108;
	_ =	swait.ge @!p0 [sflag:s8], $0x0  }
0x24: {  	s3 =	sadd.s32 $0x88, s3;
	s6 =	simm.s32 @!p1 $0x1082;
	[sflag:s4] =	ssyncset.s32 $0xFFFFF086  }
0x25: {  	[simem:s6], [sflag:s4] =	dma.local [hbm:s3], $0xF7A  }
0x26: {  	[smem:$0x3F8C] =	sst s1;
	(tag) =	ssettag s2;
	_ =	strace s9  }
0x27: {  	s1 =	sld [smem:$0x3F9C]  }
0x28: {  	s2 =	sld [smem:$0x3F9D]  }
0x29: {  	s4 =	sld [smem:$0x3F9F]  }
0x2a: {  	p0 =	seq.s32 s5, $0x0;
	s5 =	sld [smem:$0x3FA0]  }
0x2b: {  	s6 =	sld [smem:$0x3FA1]  }
0x2c: {  	s7 =	sld [smem:$0x3FA2]  }
0x2d: {  	s3 =	simm.s32 $0x108;
	s8 =	sld [smem:$0x3FA3]  }
0x2e: {  	s3 =	simm.s32 @!p0 $0x1082;
	s9 =	sld [smem:$0x3FA4]  }
0x2f: {  	lr =	sadd.s32 s0, s3;
	s0 =	sld [smem:$0x3F9B]  }
0x30: {  	s3 =	sld [smem:$0x3F9E]  }
0x31: {  	[smem:$0x3FA7] =	sst s10  }
0x32: {  	s10 =	sld [smem:$0x3FA5];
	_ =	sdelay $0x3  }
0x33: {  	p0 =	seq.s32 s10, $0x1;
	s10 =	sld [smem:$0x3FA7];
	_ =	sdelay $0x3  }
0x34: {  	[smem:$0x3FA7] =	sst s10  }
0x35: {  	s10 =	sld [smem:$0x3FA6];
	_ =	sdelay $0x3  }
0x36: {  	p1 =	seq.s32 s10, $0x1;
	s10 =	sld [smem:$0x3FA7];
	_ =	sdelay $0x3  }
0x37: {  	[smem:$0x3FA7] =	sst s10  }
0x38: {  	s10 =	sld [smem:$0x3FA8]  }
0x39: {  	_ = 	snop;
	(pc) =	sbr.ind lr, $3  }
0x3a: {  	_ = 	snop  }
0x3b: {  	_ = 	snop  }
0x3c: {  	p2 =	seq.s32 s10, $0x1;
	s10 =	sld [smem:$0x3FA7]  }
0x3d: {  	_ =	shalt  }
0x3e: {  	_ =	shalt  }
0x3f: {  	_ =	shalt  }
0x40: {  	_ =	shalt  }
0x41: {  	_ =	shalt  }
0x42: {  	_ =	shalt  }
0x43: {  	_ =	shalt  }
0x44: {  	_ =	shalt  }
0x45: {  	_ =	shalt  }
0x46: {  	_ =	shalt  }
0x47: {  	_ =	shalt  }
0x48: {  	_ =	shalt  }
0x49: {  	_ =	shalt  }
0x4a: {  	_ =	shalt  }
0x4b: {  	_ =	shalt  }
0x4c: {  	_ =	shalt  }
0x4d: {  	_ =	shalt  }
0x4e: {  	_ =	shalt  }
0x4f: {  	_ =	shalt  }
0x50: {  	_ =	shalt  }
0x51: {  	_ =	shalt  }
0x52: {  	_ =	shalt  }
0x53: {  	_ =	shalt  }
0x54: {  	_ =	shalt  }
0x55: {  	_ =	shalt  }
0x56: {  	_ =	shalt  }
0x57: {  	_ =	shalt  }
0x58: {  	_ =	shalt  }
0x59: {  	_ =	shalt  }
0x5a: {  	_ =	shalt  }
0x5b: {  	_ =	shalt  }
0x5c: {  	_ =	shalt  }
0x5d: {  	_ =	shalt  }
0x5e: {  	_ =	shalt  }
0x5f: {  	_ =	shalt  }
0x60: {  	_ =	shalt  }
0x61: {  	_ =	shalt  }
0x62: {  	_ =	shalt  }
0x63: {  	_ =	shalt  }
0x64: {  	_ =	shalt  }
0x65: {  	_ =	shalt  }
0x66: {  	_ =	shalt  }
0x67: {  	_ =	shalt  }
0x68: {  	_ =	shalt  }
0x69: {  	_ =	shalt  }
0x6a: {  	_ =	shalt  }
0x6b: {  	_ =	shalt  }
0x6c: {  	_ =	shalt  }
0x6d: {  	_ =	shalt  }
0x6e: {  	_ =	shalt  }
0x6f: {  	_ =	shalt  }
0x70: {  	_ =	shalt  }
0x71: {  	_ =	shalt  }
0x72: {  	_ =	shalt  }
0x73: {  	_ =	shalt  }
0x74: {  	_ =	shalt  }
0x75: {  	_ =	shalt  }
0x76: {  	_ =	shalt  }
0x77: {  	_ =	shalt  }
0x78: {  	_ =	shalt  }
0x79: {  	_ =	shalt  }
0x7a: {  	_ =	shalt  }
0x7b: {  	_ =	shalt  }
0x7c: {  	_ =	shalt  }
0x7d: {  	_ =	shalt  }
0x7e: {  	_ =	shalt  }
0x7f: {  	_ =	shalt  }
0x80: {  	_ =	shalt  }
0x81: {  	_ =	shalt  }
0x82: {  	_ =	shalt  }
0x83: {  	_ =	shalt  }
0x84: {  	_ =	shalt  }
0x85: {  	_ =	shalt  }
0x86: {  	_ =	shalt  }
0x87: {  	_ =	shalt  }
.Lfunc_end0:
.L_simem_size_0:
called_computation_lowered:
.L_overlay_start_0:
0x88: {  	s2 =	sld [smem:$0x3FD9]  }
0x89: {  	s3 =	sld [smem:$0x3FFE];
	_ =	sdelay $0x1  }
0x8a: {  	s1 =	srdreg.scid  }
0x8b: {  	s0 =	sand.u32 $0x1, s1  }
0x8c: {  	s16 =	sshll.u32 s0, $0xA;
	s2 =	sadd.s32 s3, s2  }
0x8d: {  	s2 =	sadd.s32 s2, s16  }
0x8e: {  	[smem:$0x3FB3] =	sst s2  }
0x8f: {  	_ = 	snop  }
0x90: {  	(tm) =	ssettm $0x1  }
0x91: {  	s17 =	sld [smem:$0x3FFB];
	_ =	sdelay $0x3  }
0x92: {  	_ =	strace s17  }
0x93: {  	s2 =	sld [smem:$0x3FFC];
	_ =	sdelay $0x3  }
0x94: {  	_ =	strace s2  }
0x95: {  	s2 =	sld [smem:$0x3FFD];
	_ =	sdelay $0x3  }
0x96: {  	_ =	strace s2  }
0x97: {  	_ =	strace $0x8FFFFFFF  }
0x98: {  	s18 =	sld [smem:$0x3FDB];
	_ =	sdelay $0x1  }
0x99: {  	s19 =	simm.s32 $_scs_section_size  }
0x9a: {  	s4 =	simm.s32 $_size__tile_overlayer_lowered;
	s5 =	simm.s32 $_tile_overlayer_lowered  }
0x9b: {  	s22 =	simm.s32 $0x1BFF;
	s21 =	sshll.u32 s5, $0x1;
	s2 =	sadd.s32 s19, s18  }
0x9c: {  	s6 =	simm.s32 $0x0;
	s20 =	sshll.u32 s4, $0x1;
	s4 =	sadd.s32 s21, s2  }
0x9d: {  	[timem:s6], [sflag:s22] =	dma.local [hbm:s4], s20  }
0x9e: {  	_ =	swait.ge [sflag:s22], s20  }
0x9f: {  	s3 =	ssub.s32 $0x0, s20;
	[sflag:s22] =	ssyncset.done $0x0  }
0xa0: {  	[sflag:s22] =	ssyncadd.s32 s3;
	_ =	sdelay $0x1  }
0xa1: {  	s23 =	simm.s32 $0x1B8B  }
0xa2: {  	_ =	swait.ge [sflag:s23], $0x1  }
0xa3: {  	[sflag:s23] =	ssyncset.done $0x0  }
0xa4: {  	s25 =	simm.s32 $0x1B8E;
	s24 =	sld [smem:$0x3FFE];
	[sflag:s23] =	ssyncadd.s32 $0xFFFFFFFF  }
0xa5: {  	s26 =	simm.s32 $execute0_lowered;
	[smem:$0x3FD2] =	sst s25  }
0xa6: {  	s4 =	sshll.u32 s26, $0x1;
	_ =	strace $0x80000046;
	[dreg:$0x1] =	wrdreg $0xFFFFFFFF  }
0xa7: {  	s28 =	simm.s32 $_size_execute0_lowered;
	s2 =	sadd.s32 s2, s4;
	[dreg:$0x0] =	wrdreg $0x0  }
0xa8: {  	s4 =	sshll.u32 s28, $0x1;
	[dreg:$0x2] =	wrdreg s2  }
0xa9: {  	[dreg:$0x3] =	wrdreg s4  }
0xaa: {  	[dreg:$0x4] =	wrdreg $0xC0  }
0xab: {  	_ =	task [dreg:s6], $0x5FFFF  }
0xac: {  	[dreg:$0x1] =	wrdreg $0xFFFFFFFF  }
0xad: {  	[dreg:$0x0] =	wrdreg $0x60  }
0xae: {  	[dreg:$0x2] =	wrdreg s24  }
0xaf: {  	[dreg:$0x3] =	wrdreg $0x9  }
0xb0: {  	_ =	task.clear_ibuf [dreg:s6], $0x4FFFF;
	_ =	strace $0x90000046  }
0xb1: {  	s29 =	simm.s32 $0x9;
	_ =	strace $0x80000048  }
0xb2: {  	_ =	swait.ge [sflag:s29], $0x1  }
0xb3: {  	[sflag:s29] =	ssyncadd.s32 $0xFFFFFFFF  }
0xb4: {  	_ =	strace $0x90000048  }
0xb5: {  	_ =	sfence  }
0xb6: {  	s30 =	sld [smem:$0x0];
	_ =	sdelay $0x2  }
0xb7: {  	s31 =	sshll.u32 s1, $0xD;
	s1 =	sshrl.u32 s1, $0x2  }
0xb8: {  	s3 =	sand.u32 $0x4000, s31;
	s1 =	sadd.s32 s1, s30  }
0xb9: {  	s0 =	sor.u32 s3, s0;
	s1 =	sshll.u32 s1, $0x11  }
0xba: {  	s0 =	sor.u32 s1, s0  }
0xbb: {  	s0 =	sadd.s32 $0x8F2B, s0  }
0xbc: {  	[sflag:s0] =	ssyncadd.remote.s32 $0x1  }
0xbd: {  	_ =	sfence.sel $0xFFFF  }
0xbe: {  	[dreg:$0x0] =	wrdreg $0xFFFFFFFF;
	(pc) =	sbr.abs _section_cstart, $3  }
0xbf: {  	[dreg:$0x1] =	wrdreg $0xFFFFFFFF  }
0xc0: {  	_ =	task.clear_ibuf [dreg:s6], $0x2FFFF;
	_ =	strace $0x9FFFFFFF  }
0xc1: {  	(tm) =	ssettm $0x7FFFFFFF  }
tec
execute0_lowered:
.L_overlay_start_1:
0x0: {  	(tag) =	ssettag $0x1  }
0x1: {  	s0 =	srdreg.scid  }
0x2: {  	s5 =	rddreg [dreg:$0x0];
	s3 =	sand.u32 $0x1, s0  }
0x3: {  	s2 =	simm.s32 $0x0;
	s0 =	stileid.u32;
	s1 =	sshll.u32 s3, $0x4  }
0x4: {  	s8 =	simm.s32 $0x80;
	s9 =	simm.s32 $0x400;
	s4 =	sor.u32 s0, s1  }
0x5: {  	s10 =	simm.s32 $0x0;
	[smem:$0x7FF] =	sst s2;
	s1 =	sshrl.u32 s4, $0x3  }
0x6: {  	s7 =	sshll.u32 s0, $0x7;
	s3 =	ssub.s32 $0x2, s3;
	s6 =	smul.u32 $0x14000, s1  }
0x7: {  	s7 =	sand.u32 $0x380, s7;
	s31 =	sshrl.u32 s3, $0x1;
	s4 =	smul.u32 $0xA00, s4  }
0x8: {  	s1 =	rddreg [dreg:$0x1];
	_ =	strace $0x80000047;
	s6 =	sor.u32 s7, s6  }
0x9: {  	s4 =	sadd.s32 s4, s5;
	s7 =	simm.s32 $0x5000;
	s6 =	sshrl.u32 s6, $0x3  }
0xa: {  	s5 =	sadd.s32 s6, s5;
	s6 =	ssub.s32 s3, s31;
	s3 =	sadd.s32 $0x3C00, s4  }
0xb: {  	v0 =	vimm.f32 $0.0e+00;
	v1 =	vimm.f32 $1.000000000e+00;
	s4 =	sadd.s32 $0x17C00, s5;
	s5 =	smax.u32 s6, $0x1;
	s6 =	simm.s32 $0x1  }
.LBB2_1:
0xc: {  	[tilespmem:s2], [sflag:$0x1] =	stream.linear.gather [hbm4b:s3+s2], $0x4E80, $0x38;
	[tilespmem:$0x7800] =	vst v63  }
0xd: {  	_ =	swait.ge [sflag:s6], $0x4E80  }
0xe: {  	[sflag:s6] =	ssyncset.done $0x0  }
0xf: {  	s11 =	simm.s32 $0x0;
	[sflag:s6] =	ssyncadd.s32 $0xFFFFB180  }
.LBB2_2:
0x10: {  	p0 =	sne.s32 s11, $0x9FC0  }
.Ltmp0:
0x11: {  	_ = 	snop;
	(pc) =	sbr.rel @p0 .LBB2_2-.Ltmp0, $3  }
0x12: {  	_ =	sdelay $0x1  }
0x13: {  	s12 =	sshra.s32 s11, $0x2  }
0x14: {  	s11 =	sadd.s32 $0x40, s11;
	[tilespmem:s12+$0x5000] =	vst v0  }
0x15: {  	s11 =	simm.s32 $0x0  }
0x16: {  	s12 =	sand.u32 $0x1FE00, s11  }
0x17: {  	s11 =	sand.u32 $0x30, s11;
	s12 =	sshrl.u32 s12, $0x2  }
0x18: {  	s11 =	sor.u32 s11, s12  }
0x19: {  	v2 =	vld [tilespmem:s11+$0x0];
	_ =	sdelay $0x4  }
0x1a: {  	s13 =	simm.s32 $0x80  }
0x1b: {  	s13 =	sand.u32 $0x1FE00, s13;
	s12 =	simm.s32 $0x100;
	s11 =	simm.s32 $0x10  }
.LBB2_4:
0x1c: {  	p0 =	sne.s32 s12, $0x13980;
	s14 =	sand.u32 $0x30, s11;
	s13 =	sshrl.u32 s13, $0x2  }
0x1d: {  	s13 =	sor.u32 s14, s13;
	[tilespmem:v2+s7+$0x0] =	vst.idx.add.f32.msk $0xffff, v1  }
0x1e: {  	v2 =	vld [tilespmem:s13+$0x0];
	_ =	sdelay $0x1  }
.Ltmp1:
0x1f: {  	(pc) =	sbr.rel @p0 .LBB2_4-.Ltmp1, $2  }
0x20: {  	_ =	sdelay $0x2  }
0x21: {  	s11 =	sadd.s32 $0x10, s11;
	s13 =	sand.u32 $0x1FE00, s12;
	s12 =	sadd.s32 $0x80, s12  }
0x22: {  	_ =	sdelay $0x2  }
0x23: {  	s11 =	sand.u32 $0x30, s11;
	s12 =	sshrl.u32 s13, $0x2  }
0x24: {  	[tilespmem:v2+s7+$0x0] =	vst.idx.add.f32.msk $0xffff, v1;
	s11 =	sor.u32 s11, s12  }
0x25: {  	v2 =	vld [tilespmem:s11+$0x0];
	_ =	sdelay $0x5  }
0x26: {  	s10 =	sadd.s32 $0x1, s10  }
0x27: {  	p0 =	sne.s32 s10, s5  }
.Ltmp2:
0x28: {  	[tilespmem:v2+s7+$0x0] =	vst.idx.add.f32.msk $0xffff, v1;
	(pc) =	sbr.rel @p0 .LBB2_1-.Ltmp2, $4  }
0x29: {  	[hbm4b:s4+s8] =	stream.strided.scatter [tilespmem:s7], [sflag:$0x1], $0x2800, s9, s8, $0x38;
	[tilespmem:$0x7800] =	vst v63  }
0x2a: {  	_ =	swait.ge [sflag:s6], $0x2800  }
0x2b: {  	[sflag:s6] =	ssyncset.done $0x0  }
0x2c: {  	[sflag:s6] =	ssyncadd.s32 $0xFFFFD800  }
0x2d: {  	_ =	sfence.sel $0x180000  }
0x2e: {  	[bflag:$0x0] =	sbarrier.arrive $0xFFFF  }
0x2f: {  	p0 =	sne.s32 s0, $0x0;
	_ =	strace $0x90000047  }
0x30: {  	s0 =	sadd.s32 @!p0 $0x100000, s1;
	[bflag:$0x2] =	sbarrier.arrive $0xFFFF  }
0x31: {  	[sflag:s0] =	ssyncadd.tile.s32 @!p0 $0x1;
	_ =	shalt  }
.Lfunc_end2:
_tile_overlayer_lowered:
.L_overlay_start_2:
0x32: {  	(tag) =	ssettag $0x2  }
0x33: {  	s0 =	rddreg [dreg:$0x0];
	s2 =	stileid.u32  }
0x34: {  	s1 =	rddreg [dreg:$0x1];
	p0 =	sne.s32 s2, $0x0  }
0x35: {  	s3 =	rddreg [dreg:$0x2];
	[bflag:$0x3] =	sbarrier.arrive $0xFFFF;
	s2 =	simm.s32 @!p0 $0x1C01  }
0x36: {  	[timem:s3], [sflag:s2] =	dma.local @!p0 [hbm:s0], s1  }
0x37: {  	s0 =	simm.s32 @!p0 $0x1  }
0x38: {  	_ =	swait.ge @!p0 [sflag:s0], s1  }
0x39: {  	s1 =	ssub.s32 @!p0 $0x0, s1;
	[sflag:s0] =	ssyncset.done @!p0 $0x0  }
0x3a: {  	[sflag:s0] =	ssyncadd.s32 @!p0 s1  }
0x3b: {  	[bflag:$0x3] =	sbarrier.arrive $0xFFFF  }
0x3c: {  	_ =	shalt  }

</sc_bundles>
